<compile_context>
chip_gen: v7x
topology: tpu7x:2x2x1
jax: 0.10.2.dev20260603
libtpu: 0.0.44.dev20260713+nightly
codegen_flags: <defaults>
</compile_context>

<pallas_src>
import functools

import jax
import jax.numpy as jnp
from jax import lax
from jax.experimental import pallas as pl
from jax.experimental.pallas import tpu as pltpu
from jax.experimental.pallas import tpu_sc as plsc

_NC = 2
_NS = 16
_NW = _NC * _NS
_C = 128
_BN = 1024


def _scatter_fn(npad, dk, nch, gather):
  rpt = npad // _NS
  mesh = plsc.VectorSubcoreMesh(
      core_axis_name="c", subcore_axis_name="s",
      num_cores=_NC, num_subcores=_NS)

  @functools.partial(
      pl.kernel,
      out_type=jax.ShapeDtypeStruct((_NC * npad, dk), jnp.float32),
      mesh=mesh,
      scratch_types=[
          pltpu.VMEM((nch, _C), jnp.int32),
          pltpu.VMEM((nch, _C), jnp.int32),
          pltpu.VMEM((_C, dk), jnp.float32),
          pltpu.VMEM_SHARED((npad, dk), jnp.float32),
          pltpu.SemaphoreType.DMA,
      ],
  )
  def scatter(table, srcw, dstw, zrows, out, src_v, dst_v, buf, acc, sem):
    cid = lax.axis_index("c")
    sid = lax.axis_index("s")
    wid = sid * _NC + cid
    pltpu.sync_copy(srcw.at[wid], src_v)
    pltpu.sync_copy(dstw.at[wid], dst_v)
    if not gather:
      pltpu.sync_copy(table, buf)
    pltpu.sync_copy(zrows, acc.at[pl.ds(sid * rpt, rpt)])
    plsc.subcore_barrier()

    def step(i, carry):
      if gather:
        pltpu.async_copy(table.at[src_v.at[i]], buf, sem).wait()
      pltpu.sync_copy(buf, acc.at[dst_v.at[i]], add=True)
      return carry

    lax.fori_loop(0, nch, step, 0)
    plsc.subcore_barrier()
    pltpu.sync_copy(acc.at[pl.ds(sid * rpt, rpt)],
                    out.at[pl.ds(cid * npad + sid * rpt, rpt)])

  return scatter


def _row_specs(d, *lane_counts):
  return [pl.BlockSpec((_BN, lc if lc else d), lambda i: (i, 0))
          for lc in lane_counts]


def _w_spec(d):
  return pl.BlockSpec((d, d), lambda i: (0, 0))


def _b_spec(d):
  return pl.BlockSpec((1, d), lambda i: (0, 0))


def _tc_first(npad, n, d):
  def body(x_ref, d0_ref, d1_ref, wl_ref, bl_ref, w1_ref, y_ref, dinv_ref):
    pid = pl.program_id(0)
    deg = d0_ref[:, 0:1] + d1_ref[:, 0:1] + 1.0
    rows = lax.broadcasted_iota(jnp.int32, (_BN, 1), 0) + pid * _BN
    dinv = jnp.where(rows < n, lax.rsqrt(deg), 0.0)
    h = jnp.dot(x_ref[...], wl_ref[...],
                preferred_element_type=jnp.float32) + bl_ref[...]
    y_ref[...] = jnp.dot(h, w1_ref[...],
                         preferred_element_type=jnp.float32) * dinv
    dinv_ref[...] = jnp.broadcast_to(dinv, (_BN, d))

  return pl.pallas_call(
      body,
      grid=(npad // _BN,),
      in_specs=_row_specs(d, 0, 0, 0) + [_w_spec(d), _b_spec(d), _w_spec(d)],
      out_specs=_row_specs(d, 0, 0),
      out_shape=[jax.ShapeDtypeStruct((npad, d), jnp.float32),
                 jax.ShapeDtypeStruct((npad, d), jnp.float32)],
  )


def _tc_mid(npad, d):
  def body(s0_ref, s1_ref, y_ref, dinv_ref, b_ref, w_ref, o_ref):
    dinv = dinv_ref[...]
    h = (s0_ref[...] + s1_ref[...] + y_ref[...]) * dinv + b_ref[...]
    h = jnp.maximum(h, 0.0)
    o_ref[...] = jnp.dot(h, w_ref[...],
                         preferred_element_type=jnp.float32) * dinv

  return pl.pallas_call(
      body,
      grid=(npad // _BN,),
      in_specs=_row_specs(d, 0, 0, 0, 0) + [_b_spec(d), _w_spec(d)],
      out_specs=_row_specs(d, 0)[0],
      out_shape=jax.ShapeDtypeStruct((npad, d), jnp.float32),
  )


def _tc_last(npad, d):
  def body(s0_ref, s1_ref, y_ref, dinv_ref, b_ref, o_ref):
    o_ref[...] = ((s0_ref[...] + s1_ref[...] + y_ref[...]) * dinv_ref[...]
                  + b_ref[...])

  return pl.pallas_call(
      body,
      grid=(npad // _BN,),
      in_specs=_row_specs(d, 0, 0, 0, 0) + [_b_spec(d)],
      out_specs=_row_specs(d, 0)[0],
      out_shape=jax.ShapeDtypeStruct((npad, d), jnp.float32),
  )


def kernel(x, edge_index, W_lin, b_lin, W1, b1, W2, b2, W3, b3):
  n, d = x.shape
  e = edge_index.shape[1]

  npad = -((n + 1) // -_BN) * _BN
  ew = _NW * _C
  epad = -(e // -ew) * ew
  nch = epad // ew

  fill = jnp.full((epad - e,), n, jnp.int32)
  srcw = jnp.concatenate([edge_index[0], fill]).reshape(_NW, nch, _C)
  dstw = jnp.concatenate([edge_index[1], fill]).reshape(_NW, nch, _C)
  xp = jnp.pad(x, ((0, npad - n), (0, 0)))
  ones_cd = jnp.ones((_C, d), jnp.float32)
  zd = jnp.zeros((npad // _NS, d), jnp.float32)
  bl, bb1, bb2, bb3 = (v.reshape(1, d) for v in (b_lin, b1, b2, b3))

  scat_ones = _scatter_fn(npad, d, nch, gather=False)
  scatd = _scatter_fn(npad, d, nch, gather=True)

  degf = scat_ones(ones_cd, srcw, dstw, zd)
  y1, dinv = _tc_first(npad, n, d)(xp, degf[:npad], degf[npad:],
                                   W_lin, bl, W1)
  s1 = scatd(y1, srcw, dstw, zd)
  y2 = _tc_mid(npad, d)(s1[:npad], s1[npad:], y1, dinv, bb1, W2)
  s2 = scatd(y2, srcw, dstw, zd)
  y3 = _tc_mid(npad, d)(s2[:npad], s2[npad:], y2, dinv, bb2, W3)
  s3 = scatd(y3, srcw, dstw, zd)
  out = _tc_last(npad, d)(s3[:npad], s3[npad:], y3, dinv, bb3)
  return out[:n]

# --- scband reference (transcript-rebuilt; emitter-appended) ---
"""Pipeline reference for scband-gnn-59854664237127 (READ-ONLY COPY).

The authoritative reference and input builder live on the scoring server;
editing this copy changes nothing except your own understanding.
"""

import jax, jax.numpy as jnp
import numpy as np

N = 10000
E = 320000
D = 128


def gcn_conv(x, edge_index, W, b):
    # PyG-style GCNConv: linear transform, add self-loops, symmetric normalization, scatter-add, bias
    x = x @ W
    src = edge_index[0]
    dst = edge_index[1]
    loop = jnp.arange(N, dtype=edge_index.dtype)
    src = jnp.concatenate([src, loop])
    dst = jnp.concatenate([dst, loop])
    deg = jnp.zeros((N,), dtype=x.dtype).at[dst].add(1.0)
    dinv = jnp.where(deg > 0, deg ** -0.5, 0.0)
    norm = dinv[src] * dinv[dst]
    msg = x[src] * norm[:, None]
    out = jnp.zeros_like(x).at[dst].add(msg)
    return out + b


def setup_inputs(seed: int = 0):
    key = jax.random.key(seed)
    ks = jax.random.split(key, 12)
    inp = {}
    inp["x"] = jax.random.normal(ks[0], (N, D), dtype=jnp.float32)
    inp["edge_index"] = jax.random.randint(ks[1], (2, E), 0, N, dtype=jnp.int32)
    # learned parameters: input linear + 3 GCNConv layers (layer=3)
    inp["W_lin"] = jax.random.normal(ks[2], (D, D), dtype=jnp.float32) * 0.05
    inp["b_lin"] = jnp.zeros((D,), dtype=jnp.float32)
    inp["W1"] = jax.random.normal(ks[3], (D, D), dtype=jnp.float32) * 0.05
    inp["b1"] = jnp.zeros((D,), dtype=jnp.float32)
    inp["W2"] = jax.random.normal(ks[4], (D, D), dtype=jnp.float32) * 0.05
    inp["b2"] = jnp.zeros((D,), dtype=jnp.float32)
    inp["W3"] = jax.random.normal(ks[5], (D, D), dtype=jnp.float32) * 0.05
    inp["b3"] = jnp.zeros((D,), dtype=jnp.float32)
    return inp


def reference(x, edge_index, W_lin, b_lin, W1, b1, W2, b2, W3, b3):
    h = x @ W_lin + b_lin
    h = gcn_conv(h, edge_index, W1, b1)
    h = jax.nn.relu(h)
    h = gcn_conv(h, edge_index, W2, b2)
    h = jax.nn.relu(h)
    h = gcn_conv(h, edge_index, W3, b3)
    return h

if __name__ == "__main__":
    import jax
    _d = setup_inputs()
    print(jax.jit(kernel)(*tuple(_d.values())))

</pallas_src>

<mosaic_0001>
#map = affine_map<(d0, d1) -> (0, 0)>
#map1 = affine_map<(d0, d1) -> (0, 0, 0)>
module attributes {stable_mosaic.version = 14 : i64} {
  func.func @scatter(%arg0: i32, %arg1: i32, %arg2: memref<128x128xf32, #tpu.memory_space<hbm>>, %arg3: memref<32x79x128xi32, #tpu.memory_space<hbm>>, %arg4: memref<32x79x128xi32, #tpu.memory_space<hbm>>, %arg5: memref<640x128xf32, #tpu.memory_space<hbm>>, %arg6: memref<20480x128xf32, #tpu.memory_space<hbm>>, %arg7: memref<79x128xi32, #tpu.memory_space<vmem>>, %arg8: memref<79x128xi32, #tpu.memory_space<vmem>>, %arg9: memref<128x128xf32, #tpu.memory_space<vmem>>, %arg10: memref<10240x128xf32, #tpu.memory_space<vmem_shared>>, %arg11: memref<!tpu.dma_semaphore, #tpu.memory_space<semaphore_mem>>) attributes {dimension_semantics = [#tpu.dimension_semantics<core_parallel>, #tpu.dimension_semantics<subcore_parallel>], iteration_bounds = array<i64: 2, 16>, scalar_prefetch = 0 : i64, scratch_operands = 5 : i64, tpu.core_type = #tpu.core_type<sc_vector_subcore>, window_params = [{transform_indices = #map}, {transform_indices = #map1}, {transform_indices = #map1}, {transform_indices = #map}, {transform_indices = #map}]} {
    %mul3A = arith.constant 2 : i32
    %mul3A_0 = arith.muli %arg1, %mul3A : i32
    %add3A = arith.addi %mul3A_0, %arg0 : i32
    "tpu.region"() ({
      %run_scoped3A = tpu.sem_alloc : memref<!tpu.dma_semaphore, #tpu.memory_space<semaphore_mem>>
      %dma_start3A = arith.constant 0 : i32
      %dma_start3A_16 = arith.constant 0 : i32
      %dma_start3A_17 = tpu.memref_slice %arg3[%add3A, %dma_start3A, %dma_start3A_16] : memref<32x79x128xi32, #tpu.memory_space<hbm>> -> memref<1x79x128xi32, #tpu.memory_space<hbm>>
      %dma_start3A_18 = tpu.memref_squeeze %dma_start3A_17 : memref<1x79x128xi32, #tpu.memory_space<hbm>> -> memref<79x128xi32, #tpu.memory_space<hbm>>
      %dma_start3A_19 = arith.constant 0 : i32
      %dma_start3A_20 = arith.constant 0 : i32
      %dma_start3A_21 = tpu.memref_slice %arg3[%add3A, %dma_start3A_19, %dma_start3A_20] : memref<32x79x128xi32, #tpu.memory_space<hbm>> -> memref<1x79x128xi32, #tpu.memory_space<hbm>>
      %dma_start3A_22 = tpu.memref_squeeze %dma_start3A_21 : memref<1x79x128xi32, #tpu.memory_space<hbm>> -> memref<79x128xi32, #tpu.memory_space<hbm>>
      tpu.enqueue_dma source(%dma_start3A_22 : memref<79x128xi32, #tpu.memory_space<hbm>>) target(%arg7 : memref<79x128xi32, #tpu.memory_space<vmem>>) target_semaphore(%run_scoped3A : memref<!tpu.dma_semaphore, #tpu.memory_space<semaphore_mem>>)
      %dma_wait3A = arith.constant 0 : i32
      %dma_wait3A_23 = arith.constant 0 : i32
      %dma_wait3A_24 = tpu.memref_slice %arg3[%add3A, %dma_wait3A, %dma_wait3A_23] : memref<32x79x128xi32, #tpu.memory_space<hbm>> -> memref<1x79x128xi32, #tpu.memory_space<hbm>>
      %dma_wait3A_25 = tpu.memref_squeeze %dma_wait3A_24 : memref<1x79x128xi32, #tpu.memory_space<hbm>> -> memref<79x128xi32, #tpu.memory_space<hbm>>
      %dma_wait3A_26 = arith.constant 0 : i32
      %dma_wait3A_27 = arith.constant 0 : i32
      %dma_wait3A_28 = tpu.memref_slice %arg3[%add3A, %dma_wait3A_26, %dma_wait3A_27] : memref<32x79x128xi32, #tpu.memory_space<hbm>> -> memref<1x79x128xi32, #tpu.memory_space<hbm>>
      %dma_wait3A_29 = tpu.memref_squeeze %dma_wait3A_28 : memref<1x79x128xi32, #tpu.memory_space<hbm>> -> memref<79x128xi32, #tpu.memory_space<hbm>>
      tpu.wait_dma2 semaphore(%run_scoped3A : memref<!tpu.dma_semaphore, #tpu.memory_space<semaphore_mem>>) src(%dma_wait3A_29 : memref<79x128xi32, #tpu.memory_space<hbm>>) dst(%arg7 : memref<79x128xi32, #tpu.memory_space<vmem>>)
      tpu.yield
    }) : () -> ()
    "tpu.region"() ({
      %run_scoped3A = tpu.sem_alloc : memref<!tpu.dma_semaphore, #tpu.memory_space<semaphore_mem>>
      %dma_start3A = arith.constant 0 : i32
      %dma_start3A_16 = arith.constant 0 : i32
      %dma_start3A_17 = tpu.memref_slice %arg4[%add3A, %dma_start3A, %dma_start3A_16] : memref<32x79x128xi32, #tpu.memory_space<hbm>> -> memref<1x79x128xi32, #tpu.memory_space<hbm>>
      %dma_start3A_18 = tpu.memref_squeeze %dma_start3A_17 : memref<1x79x128xi32, #tpu.memory_space<hbm>> -> memref<79x128xi32, #tpu.memory_space<hbm>>
      %dma_start3A_19 = arith.constant 0 : i32
      %dma_start3A_20 = arith.constant 0 : i32
      %dma_start3A_21 = tpu.memref_slice %arg4[%add3A, %dma_start3A_19, %dma_start3A_20] : memref<32x79x128xi32, #tpu.memory_space<hbm>> -> memref<1x79x128xi32, #tpu.memory_space<hbm>>
      %dma_start3A_22 = tpu.memref_squeeze %dma_start3A_21 : memref<1x79x128xi32, #tpu.memory_space<hbm>> -> memref<79x128xi32, #tpu.memory_space<hbm>>
      tpu.enqueue_dma source(%dma_start3A_22 : memref<79x128xi32, #tpu.memory_space<hbm>>) target(%arg8 : memref<79x128xi32, #tpu.memory_space<vmem>>) target_semaphore(%run_scoped3A : memref<!tpu.dma_semaphore, #tpu.memory_space<semaphore_mem>>)
      %dma_wait3A = arith.constant 0 : i32
      %dma_wait3A_23 = arith.constant 0 : i32
      %dma_wait3A_24 = tpu.memref_slice %arg4[%add3A, %dma_wait3A, %dma_wait3A_23] : memref<32x79x128xi32, #tpu.memory_space<hbm>> -> memref<1x79x128xi32, #tpu.memory_space<hbm>>
      %dma_wait3A_25 = tpu.memref_squeeze %dma_wait3A_24 : memref<1x79x128xi32, #tpu.memory_space<hbm>> -> memref<79x128xi32, #tpu.memory_space<hbm>>
      %dma_wait3A_26 = arith.constant 0 : i32
      %dma_wait3A_27 = arith.constant 0 : i32
      %dma_wait3A_28 = tpu.memref_slice %arg4[%add3A, %dma_wait3A_26, %dma_wait3A_27] : memref<32x79x128xi32, #tpu.memory_space<hbm>> -> memref<1x79x128xi32, #tpu.memory_space<hbm>>
      %dma_wait3A_29 = tpu.memref_squeeze %dma_wait3A_28 : memref<1x79x128xi32, #tpu.memory_space<hbm>> -> memref<79x128xi32, #tpu.memory_space<hbm>>
      tpu.wait_dma2 semaphore(%run_scoped3A : memref<!tpu.dma_semaphore, #tpu.memory_space<semaphore_mem>>) src(%dma_wait3A_29 : memref<79x128xi32, #tpu.memory_space<hbm>>) dst(%arg8 : memref<79x128xi32, #tpu.memory_space<vmem>>)
      tpu.yield
    }) : () -> ()
    "tpu.region"() ({
      %run_scoped3A = tpu.sem_alloc : memref<!tpu.dma_semaphore, #tpu.memory_space<semaphore_mem>>
      tpu.enqueue_dma source(%arg2 : memref<128x128xf32, #tpu.memory_space<hbm>>) target(%arg9 : memref<128x128xf32, #tpu.memory_space<vmem>>) target_semaphore(%run_scoped3A : memref<!tpu.dma_semaphore, #tpu.memory_space<semaphore_mem>>)
      tpu.wait_dma2 semaphore(%run_scoped3A : memref<!tpu.dma_semaphore, #tpu.memory_space<semaphore_mem>>) src(%arg2 : memref<128x128xf32, #tpu.memory_space<hbm>>) dst(%arg9 : memref<128x128xf32, #tpu.memory_space<vmem>>)
      tpu.yield
    }) : () -> ()
    %mul3A_1 = arith.constant 640 : i32
    %mul3A_2 = arith.muli %arg1, %mul3A_1 : i32
    "tpu.region"() ({
      %run_scoped3A = tpu.sem_alloc : memref<!tpu.dma_semaphore, #tpu.memory_space<semaphore_mem>>
      %dma_start3A = arith.constant 0 : i32
      %dma_start3A_16 = tpu.memref_slice %arg10[%mul3A_2, %dma_start3A] : memref<10240x128xf32, #tpu.memory_space<vmem_shared>> -> memref<640x128xf32, #tpu.memory_space<vmem_shared>>
      tpu.enqueue_dma source(%arg5 : memref<640x128xf32, #tpu.memory_space<hbm>>) target(%dma_start3A_16 : memref<640x128xf32, #tpu.memory_space<vmem_shared>>) target_semaphore(%run_scoped3A : memref<!tpu.dma_semaphore, #tpu.memory_space<semaphore_mem>>)
      %dma_wait3A = arith.constant 0 : i32
      %dma_wait3A_17 = tpu.memref_slice %arg10[%mul3A_2, %dma_wait3A] : memref<10240x128xf32, #tpu.memory_space<vmem_shared>> -> memref<640x128xf32, #tpu.memory_space<vmem_shared>>
      tpu.wait_dma2 semaphore(%run_scoped3A : memref<!tpu.dma_semaphore, #tpu.memory_space<semaphore_mem>>) src(%arg5 : memref<640x128xf32, #tpu.memory_space<hbm>>) dst(%dma_wait3A_17 : memref<640x128xf32, #tpu.memory_space<vmem_shared>>)
      tpu.yield
    }) : () -> ()
    %barrier3A = arith.constant 0 : index
    tpu.barrier barrier_id(%barrier3A)
    %scan3A = arith.constant 0 : i32
    %scan3A_3 = arith.constant 0 : i32
    %scan3A_4 = arith.constant 79 : i32
    %scan3A_5 = arith.addi %scan3A_3, %scan3A_4 : i32
    %scan3A_6 = arith.constant 1 : i32
    scf.for %scan3A_16 = %scan3A_3 to %scan3A_5 step %scan3A_6  : i32 {
      "tpu.region"() ({
        %run_scoped3A = tpu.sem_alloc : memref<!tpu.dma_semaphore, #tpu.memory_space<semaphore_mem>>
        %dma_start3A = arith.constant 0 : i32
        %dma_start3A_17 = tpu.memref_slice %arg8[%scan3A_16, %dma_start3A] : memref<79x128xi32, #tpu.memory_space<vmem>> -> memref<1x128xi32, #tpu.memory_space<vmem>>
        %dma_start3A_18 = tpu.memref_squeeze %dma_start3A_17 : memref<1x128xi32, #tpu.memory_space<vmem>> -> memref<128xi32, #tpu.memory_space<vmem>>
        %dma_start3A_19 = arith.constant 0 : i32
        %dma_start3A_20 = arith.constant 0 : i32
        %dma_start3A_21 = tpu.memref_slice %arg10[%dma_start3A_19, %dma_start3A_20] : memref<10240x128xf32, #tpu.memory_space<vmem_shared>> -> memref<10240x128xf32, #tpu.memory_space<vmem_shared>>
        tpu.enqueue_indirect_dma source(%arg9 : memref<128x128xf32, #tpu.memory_space<vmem>>) target(%dma_start3A_21 : memref<10240x128xf32, #tpu.memory_space<vmem_shared>>) offsets(%dma_start3A_18 : memref<128xi32, #tpu.memory_space<vmem>>) semaphore(%run_scoped3A : memref<!tpu.dma_semaphore, #tpu.memory_space<semaphore_mem>>) {add = true}
        %dma_wait3A = arith.constant 0 : i32
        %dma_wait3A_22 = tpu.memref_slice %arg8[%scan3A_16, %dma_wait3A] : memref<79x128xi32, #tpu.memory_space<vmem>> -> memref<1x128xi32, #tpu.memory_space<vmem>>
        %dma_wait3A_23 = tpu.memref_squeeze %dma_wait3A_22 : memref<1x128xi32, #tpu.memory_space<vmem>> -> memref<128xi32, #tpu.memory_space<vmem>>
        %dma_wait3A_24 = arith.constant 0 : i32
        %dma_wait3A_25 = arith.constant 0 : i32
        %dma_wait3A_26 = tpu.memref_slice %arg10[%dma_wait3A_24, %dma_wait3A_25] : memref<10240x128xf32, #tpu.memory_space<vmem_shared>> -> memref<10240x128xf32, #tpu.memory_space<vmem_shared>>
        tpu.wait_indirect_dma semaphore(%run_scoped3A : memref<!tpu.dma_semaphore, #tpu.memory_space<semaphore_mem>>) src(%arg9 : memref<128x128xf32, #tpu.memory_space<vmem>>) dst(%dma_wait3A_26 : memref<10240x128xf32, #tpu.memory_space<vmem_shared>>)
        tpu.yield
      }) : () -> ()
    }
    %scan3A_7 = arith.constant 79 : i32
    %barrier3A_8 = arith.constant 0 : index
    tpu.barrier barrier_id(%barrier3A_8)
    %mul3A_9 = arith.constant 640 : i32
    %mul3A_10 = arith.muli %arg1, %mul3A_9 : i32
    %mul3A_11 = arith.constant 10240 : i32
    %mul3A_12 = arith.muli %arg0, %mul3A_11 : i32
    %mul3A_13 = arith.constant 640 : i32
    %mul3A_14 = arith.muli %arg1, %mul3A_13 : i32
    %add3A_15 = arith.addi %mul3A_12, %mul3A_14 : i32
    "tpu.region"() ({
      %run_scoped3A = tpu.sem_alloc : memref<!tpu.dma_semaphore, #tpu.memory_space<semaphore_mem>>
      %dma_start3A = arith.constant 0 : i32
      %dma_start3A_16 = tpu.memref_slice %arg6[%add3A_15, %dma_start3A] : memref<20480x128xf32, #tpu.memory_space<hbm>> -> memref<640x128xf32, #tpu.memory_space<hbm>>
      %dma_start3A_17 = arith.constant 0 : i32
      %dma_start3A_18 = tpu.memref_slice %arg10[%mul3A_10, %dma_start3A_17] : memref<10240x128xf32, #tpu.memory_space<vmem_shared>> -> memref<640x128xf32, #tpu.memory_space<vmem_shared>>
      tpu.enqueue_dma source(%dma_start3A_18 : memref<640x128xf32, #tpu.memory_space<vmem_shared>>) target(%dma_start3A_16 : memref<640x128xf32, #tpu.memory_space<hbm>>) target_semaphore(%run_scoped3A : memref<!tpu.dma_semaphore, #tpu.memory_space<semaphore_mem>>)
      %dma_wait3A = arith.constant 0 : i32
      %dma_wait3A_19 = tpu.memref_slice %arg6[%add3A_15, %dma_wait3A] : memref<20480x128xf32, #tpu.memory_space<hbm>> -> memref<640x128xf32, #tpu.memory_space<hbm>>
      %dma_wait3A_20 = arith.constant 0 : i32
      %dma_wait3A_21 = tpu.memref_slice %arg10[%mul3A_10, %dma_wait3A_20] : memref<10240x128xf32, #tpu.memory_space<vmem_shared>> -> memref<640x128xf32, #tpu.memory_space<vmem_shared>>
      tpu.wait_dma2 semaphore(%run_scoped3A : memref<!tpu.dma_semaphore, #tpu.memory_space<semaphore_mem>>) src(%dma_wait3A_21 : memref<640x128xf32, #tpu.memory_space<vmem_shared>>) dst(%dma_wait3A_19 : memref<640x128xf32, #tpu.memory_space<hbm>>)
      tpu.yield
    }) : () -> ()
    return
  }
}

#map = affine_map<(d0, d1) -> (0, 0)>
#map1 = affine_map<(d0, d1) -> (0, 0, 0)>
module attributes {stable_mosaic.version = 14 : i64} {
  func.func @scatter(%arg0: i32, %arg1: i32, %arg2: memref<10240x128xf32, #tpu.memory_space<hbm>>, %arg3: memref<32x79x128xi32, #tpu.memory_space<hbm>>, %arg4: memref<32x79x128xi32, #tpu.memory_space<hbm>>, %arg5: memref<640x128xf32, #tpu.memory_space<hbm>>, %arg6: memref<20480x128xf32, #tpu.memory_space<hbm>>, %arg7: memref<79x128xi32, #tpu.memory_space<vmem>>, %arg8: memref<79x128xi32, #tpu.memory_space<vmem>>, %arg9: memref<128x128xf32, #tpu.memory_space<vmem>>, %arg10: memref<10240x128xf32, #tpu.memory_space<vmem_shared>>, %arg11: memref<!tpu.dma_semaphore, #tpu.memory_space<semaphore_mem>>) attributes {dimension_semantics = [#tpu.dimension_semantics<core_parallel>, #tpu.dimension_semantics<subcore_parallel>], iteration_bounds = array<i64: 2, 16>, scalar_prefetch = 0 : i64, scratch_operands = 5 : i64, tpu.core_type = #tpu.core_type<sc_vector_subcore>, window_params = [{transform_indices = #map}, {transform_indices = #map1}, {transform_indices = #map1}, {transform_indices = #map}, {transform_indices = #map}]} {
    %mul3A = arith.constant 2 : i32
    %mul3A_0 = arith.muli %arg1, %mul3A : i32
    %add3A = arith.addi %mul3A_0, %arg0 : i32
    "tpu.region"() ({
      %run_scoped3A = tpu.sem_alloc : memref<!tpu.dma_semaphore, #tpu.memory_space<semaphore_mem>>
      %dma_start3A = arith.constant 0 : i32
      %dma_start3A_16 = arith.constant 0 : i32
      %dma_start3A_17 = tpu.memref_slice %arg3[%add3A, %dma_start3A, %dma_start3A_16] : memref<32x79x128xi32, #tpu.memory_space<hbm>> -> memref<1x79x128xi32, #tpu.memory_space<hbm>>
      %dma_start3A_18 = tpu.memref_squeeze %dma_start3A_17 : memref<1x79x128xi32, #tpu.memory_space<hbm>> -> memref<79x128xi32, #tpu.memory_space<hbm>>
      %dma_start3A_19 = arith.constant 0 : i32
      %dma_start3A_20 = arith.constant 0 : i32
      %dma_start3A_21 = tpu.memref_slice %arg3[%add3A, %dma_start3A_19, %dma_start3A_20] : memref<32x79x128xi32, #tpu.memory_space<hbm>> -> memref<1x79x128xi32, #tpu.memory_space<hbm>>
      %dma_start3A_22 = tpu.memref_squeeze %dma_start3A_21 : memref<1x79x128xi32, #tpu.memory_space<hbm>> -> memref<79x128xi32, #tpu.memory_space<hbm>>
      tpu.enqueue_dma source(%dma_start3A_22 : memref<79x128xi32, #tpu.memory_space<hbm>>) target(%arg7 : memref<79x128xi32, #tpu.memory_space<vmem>>) target_semaphore(%run_scoped3A : memref<!tpu.dma_semaphore, #tpu.memory_space<semaphore_mem>>)
      %dma_wait3A = arith.constant 0 : i32
      %dma_wait3A_23 = arith.constant 0 : i32
      %dma_wait3A_24 = tpu.memref_slice %arg3[%add3A, %dma_wait3A, %dma_wait3A_23] : memref<32x79x128xi32, #tpu.memory_space<hbm>> -> memref<1x79x128xi32, #tpu.memory_space<hbm>>
      %dma_wait3A_25 = tpu.memref_squeeze %dma_wait3A_24 : memref<1x79x128xi32, #tpu.memory_space<hbm>> -> memref<79x128xi32, #tpu.memory_space<hbm>>
      %dma_wait3A_26 = arith.constant 0 : i32
      %dma_wait3A_27 = arith.constant 0 : i32
      %dma_wait3A_28 = tpu.memref_slice %arg3[%add3A, %dma_wait3A_26, %dma_wait3A_27] : memref<32x79x128xi32, #tpu.memory_space<hbm>> -> memref<1x79x128xi32, #tpu.memory_space<hbm>>
      %dma_wait3A_29 = tpu.memref_squeeze %dma_wait3A_28 : memref<1x79x128xi32, #tpu.memory_space<hbm>> -> memref<79x128xi32, #tpu.memory_space<hbm>>
      tpu.wait_dma2 semaphore(%run_scoped3A : memref<!tpu.dma_semaphore, #tpu.memory_space<semaphore_mem>>) src(%dma_wait3A_29 : memref<79x128xi32, #tpu.memory_space<hbm>>) dst(%arg7 : memref<79x128xi32, #tpu.memory_space<vmem>>)
      tpu.yield
    }) : () -> ()
    "tpu.region"() ({
      %run_scoped3A = tpu.sem_alloc : memref<!tpu.dma_semaphore, #tpu.memory_space<semaphore_mem>>
      %dma_start3A = arith.constant 0 : i32
      %dma_start3A_16 = arith.constant 0 : i32
      %dma_start3A_17 = tpu.memref_slice %arg4[%add3A, %dma_start3A, %dma_start3A_16] : memref<32x79x128xi32, #tpu.memory_space<hbm>> -> memref<1x79x128xi32, #tpu.memory_space<hbm>>
      %dma_start3A_18 = tpu.memref_squeeze %dma_start3A_17 : memref<1x79x128xi32, #tpu.memory_space<hbm>> -> memref<79x128xi32, #tpu.memory_space<hbm>>
      %dma_start3A_19 = arith.constant 0 : i32
      %dma_start3A_20 = arith.constant 0 : i32
      %dma_start3A_21 = tpu.memref_slice %arg4[%add3A, %dma_start3A_19, %dma_start3A_20] : memref<32x79x128xi32, #tpu.memory_space<hbm>> -> memref<1x79x128xi32, #tpu.memory_space<hbm>>
      %dma_start3A_22 = tpu.memref_squeeze %dma_start3A_21 : memref<1x79x128xi32, #tpu.memory_space<hbm>> -> memref<79x128xi32, #tpu.memory_space<hbm>>
      tpu.enqueue_dma source(%dma_start3A_22 : memref<79x128xi32, #tpu.memory_space<hbm>>) target(%arg8 : memref<79x128xi32, #tpu.memory_space<vmem>>) target_semaphore(%run_scoped3A : memref<!tpu.dma_semaphore, #tpu.memory_space<semaphore_mem>>)
      %dma_wait3A = arith.constant 0 : i32
      %dma_wait3A_23 = arith.constant 0 : i32
      %dma_wait3A_24 = tpu.memref_slice %arg4[%add3A, %dma_wait3A, %dma_wait3A_23] : memref<32x79x128xi32, #tpu.memory_space<hbm>> -> memref<1x79x128xi32, #tpu.memory_space<hbm>>
      %dma_wait3A_25 = tpu.memref_squeeze %dma_wait3A_24 : memref<1x79x128xi32, #tpu.memory_space<hbm>> -> memref<79x128xi32, #tpu.memory_space<hbm>>
      %dma_wait3A_26 = arith.constant 0 : i32
      %dma_wait3A_27 = arith.constant 0 : i32
      %dma_wait3A_28 = tpu.memref_slice %arg4[%add3A, %dma_wait3A_26, %dma_wait3A_27] : memref<32x79x128xi32, #tpu.memory_space<hbm>> -> memref<1x79x128xi32, #tpu.memory_space<hbm>>
      %dma_wait3A_29 = tpu.memref_squeeze %dma_wait3A_28 : memref<1x79x128xi32, #tpu.memory_space<hbm>> -> memref<79x128xi32, #tpu.memory_space<hbm>>
      tpu.wait_dma2 semaphore(%run_scoped3A : memref<!tpu.dma_semaphore, #tpu.memory_space<semaphore_mem>>) src(%dma_wait3A_29 : memref<79x128xi32, #tpu.memory_space<hbm>>) dst(%arg8 : memref<79x128xi32, #tpu.memory_space<vmem>>)
      tpu.yield
    }) : () -> ()
    %mul3A_1 = arith.constant 640 : i32
    %mul3A_2 = arith.muli %arg1, %mul3A_1 : i32
    "tpu.region"() ({
      %run_scoped3A = tpu.sem_alloc : memref<!tpu.dma_semaphore, #tpu.memory_space<semaphore_mem>>
      %dma_start3A = arith.constant 0 : i32
      %dma_start3A_16 = tpu.memref_slice %arg10[%mul3A_2, %dma_start3A] : memref<10240x128xf32, #tpu.memory_space<vmem_shared>> -> memref<640x128xf32, #tpu.memory_space<vmem_shared>>
      tpu.enqueue_dma source(%arg5 : memref<640x128xf32, #tpu.memory_space<hbm>>) target(%dma_start3A_16 : memref<640x128xf32, #tpu.memory_space<vmem_shared>>) target_semaphore(%run_scoped3A : memref<!tpu.dma_semaphore, #tpu.memory_space<semaphore_mem>>)
      %dma_wait3A = arith.constant 0 : i32
      %dma_wait3A_17 = tpu.memref_slice %arg10[%mul3A_2, %dma_wait3A] : memref<10240x128xf32, #tpu.memory_space<vmem_shared>> -> memref<640x128xf32, #tpu.memory_space<vmem_shared>>
      tpu.wait_dma2 semaphore(%run_scoped3A : memref<!tpu.dma_semaphore, #tpu.memory_space<semaphore_mem>>) src(%arg5 : memref<640x128xf32, #tpu.memory_space<hbm>>) dst(%dma_wait3A_17 : memref<640x128xf32, #tpu.memory_space<vmem_shared>>)
      tpu.yield
    }) : () -> ()
    %barrier3A = arith.constant 0 : index
    tpu.barrier barrier_id(%barrier3A)
    %scan3A = arith.constant 0 : i32
    %scan3A_3 = arith.constant 0 : i32
    %scan3A_4 = arith.constant 79 : i32
    %scan3A_5 = arith.addi %scan3A_3, %scan3A_4 : i32
    %scan3A_6 = arith.constant 1 : i32
    scf.for %scan3A_16 = %scan3A_3 to %scan3A_5 step %scan3A_6  : i32 {
      %dma_start3A = arith.constant 0 : i32
      %dma_start3A_17 = tpu.memref_slice %arg7[%scan3A_16, %dma_start3A] : memref<79x128xi32, #tpu.memory_space<vmem>> -> memref<1x128xi32, #tpu.memory_space<vmem>>
      %dma_start3A_18 = tpu.memref_squeeze %dma_start3A_17 : memref<1x128xi32, #tpu.memory_space<vmem>> -> memref<128xi32, #tpu.memory_space<vmem>>
      %dma_start3A_19 = arith.constant 0 : i32
      %dma_start3A_20 = arith.constant 0 : i32
      %dma_start3A_21 = tpu.memref_slice %arg2[%dma_start3A_19, %dma_start3A_20] : memref<10240x128xf32, #tpu.memory_space<hbm>> -> memref<10240x128xf32, #tpu.memory_space<hbm>>
      tpu.enqueue_indirect_dma source(%dma_start3A_21 : memref<10240x128xf32, #tpu.memory_space<hbm>>) target(%arg9 : memref<128x128xf32, #tpu.memory_space<vmem>>) offsets(%dma_start3A_18 : memref<128xi32, #tpu.memory_space<vmem>>) semaphore(%arg11 : memref<!tpu.dma_semaphore, #tpu.memory_space<semaphore_mem>>)
      %dma_wait3A = arith.constant 0 : i32
      %dma_wait3A_22 = tpu.memref_slice %arg7[%scan3A_16, %dma_wait3A] : memref<79x128xi32, #tpu.memory_space<vmem>> -> memref<1x128xi32, #tpu.memory_space<vmem>>
      %dma_wait3A_23 = tpu.memref_squeeze %dma_wait3A_22 : memref<1x128xi32, #tpu.memory_space<vmem>> -> memref<128xi32, #tpu.memory_space<vmem>>
      %dma_wait3A_24 = arith.constant 0 : i32
      %dma_wait3A_25 = arith.constant 0 : i32
      %dma_wait3A_26 = tpu.memref_slice %arg2[%dma_wait3A_24, %dma_wait3A_25] : memref<10240x128xf32, #tpu.memory_space<hbm>> -> memref<10240x128xf32, #tpu.memory_space<hbm>>
      tpu.wait_indirect_dma semaphore(%arg11 : memref<!tpu.dma_semaphore, #tpu.memory_space<semaphore_mem>>) src(%dma_wait3A_26 : memref<10240x128xf32, #tpu.memory_space<hbm>>) dst(%arg9 : memref<128x128xf32, #tpu.memory_space<vmem>>)
      "tpu.region"() ({
        %run_scoped3A = tpu.sem_alloc : memref<!tpu.dma_semaphore, #tpu.memory_space<semaphore_mem>>
        %dma_start3A_27 = arith.constant 0 : i32
        %dma_start3A_28 = tpu.memref_slice %arg8[%scan3A_16, %dma_start3A_27] : memref<79x128xi32, #tpu.memory_space<vmem>> -> memref<1x128xi32, #tpu.memory_space<vmem>>
        %dma_start3A_29 = tpu.memref_squeeze %dma_start3A_28 : memref<1x128xi32, #tpu.memory_space<vmem>> -> memref<128xi32, #tpu.memory_space<vmem>>
        %dma_start3A_30 = arith.constant 0 : i32
        %dma_start3A_31 = arith.constant 0 : i32
        %dma_start3A_32 = tpu.memref_slice %arg10[%dma_start3A_30, %dma_start3A_31] : memref<10240x128xf32, #tpu.memory_space<vmem_shared>> -> memref<10240x128xf32, #tpu.memory_space<vmem_shared>>
        tpu.enqueue_indirect_dma source(%arg9 : memref<128x128xf32, #tpu.memory_space<vmem>>) target(%dma_start3A_32 : memref<10240x128xf32, #tpu.memory_space<vmem_shared>>) offsets(%dma_start3A_29 : memref<128xi32, #tpu.memory_space<vmem>>) semaphore(%run_scoped3A : memref<!tpu.dma_semaphore, #tpu.memory_space<semaphore_mem>>) {add = true}
        %dma_wait3A_33 = arith.constant 0 : i32
        %dma_wait3A_34 = tpu.memref_slice %arg8[%scan3A_16, %dma_wait3A_33] : memref<79x128xi32, #tpu.memory_space<vmem>> -> memref<1x128xi32, #tpu.memory_space<vmem>>
        %dma_wait3A_35 = tpu.memref_squeeze %dma_wait3A_34 : memref<1x128xi32, #tpu.memory_space<vmem>> -> memref<128xi32, #tpu.memory_space<vmem>>
        %dma_wait3A_36 = arith.constant 0 : i32
        %dma_wait3A_37 = arith.constant 0 : i32
        %dma_wait3A_38 = tpu.memref_slice %arg10[%dma_wait3A_36, %dma_wait3A_37] : memref<10240x128xf32, #tpu.memory_space<vmem_shared>> -> memref<10240x128xf32, #tpu.memory_space<vmem_shared>>
        tpu.wait_indirect_dma semaphore(%run_scoped3A : memref<!tpu.dma_semaphore, #tpu.memory_space<semaphore_mem>>) src(%arg9 : memref<128x128xf32, #tpu.memory_space<vmem>>) dst(%dma_wait3A_38 : memref<10240x128xf32, #tpu.memory_space<vmem_shared>>)
        tpu.yield
      }) : () -> ()
    }
    %scan3A_7 = arith.constant 79 : i32
    %barrier3A_8 = arith.constant 0 : index
    tpu.barrier barrier_id(%barrier3A_8)
    %mul3A_9 = arith.constant 640 : i32
    %mul3A_10 = arith.muli %arg1, %mul3A_9 : i32
    %mul3A_11 = arith.constant 10240 : i32
    %mul3A_12 = arith.muli %arg0, %mul3A_11 : i32
    %mul3A_13 = arith.constant 640 : i32
    %mul3A_14 = arith.muli %arg1, %mul3A_13 : i32
    %add3A_15 = arith.addi %mul3A_12, %mul3A_14 : i32
    "tpu.region"() ({
      %run_scoped3A = tpu.sem_alloc : memref<!tpu.dma_semaphore, #tpu.memory_space<semaphore_mem>>
      %dma_start3A = arith.constant 0 : i32
      %dma_start3A_16 = tpu.memref_slice %arg6[%add3A_15, %dma_start3A] : memref<20480x128xf32, #tpu.memory_space<hbm>> -> memref<640x128xf32, #tpu.memory_space<hbm>>
      %dma_start3A_17 = arith.constant 0 : i32
      %dma_start3A_18 = tpu.memref_slice %arg10[%mul3A_10, %dma_start3A_17] : memref<10240x128xf32, #tpu.memory_space<vmem_shared>> -> memref<640x128xf32, #tpu.memory_space<vmem_shared>>
      tpu.enqueue_dma source(%dma_start3A_18 : memref<640x128xf32, #tpu.memory_space<vmem_shared>>) target(%dma_start3A_16 : memref<640x128xf32, #tpu.memory_space<hbm>>) target_semaphore(%run_scoped3A : memref<!tpu.dma_semaphore, #tpu.memory_space<semaphore_mem>>)
      %dma_wait3A = arith.constant 0 : i32
      %dma_wait3A_19 = tpu.memref_slice %arg6[%add3A_15, %dma_wait3A] : memref<20480x128xf32, #tpu.memory_space<hbm>> -> memref<640x128xf32, #tpu.memory_space<hbm>>
      %dma_wait3A_20 = arith.constant 0 : i32
      %dma_wait3A_21 = tpu.memref_slice %arg10[%mul3A_10, %dma_wait3A_20] : memref<10240x128xf32, #tpu.memory_space<vmem_shared>> -> memref<640x128xf32, #tpu.memory_space<vmem_shared>>
      tpu.wait_dma2 semaphore(%run_scoped3A : memref<!tpu.dma_semaphore, #tpu.memory_space<semaphore_mem>>) src(%dma_wait3A_21 : memref<640x128xf32, #tpu.memory_space<vmem_shared>>) dst(%dma_wait3A_19 : memref<640x128xf32, #tpu.memory_space<hbm>>)
      tpu.yield
    }) : () -> ()
    return
  }
}

#map = affine_map<(d0, d1) -> (0, 0)>
#map1 = affine_map<(d0, d1) -> (0, 0, 0)>
module attributes {stable_mosaic.version = 14 : i64} {
  func.func @scatter(%arg0: i32, %arg1: i32, %arg2: memref<10240x128xf32, #tpu.memory_space<hbm>>, %arg3: memref<32x79x128xi32, #tpu.memory_space<hbm>>, %arg4: memref<32x79x128xi32, #tpu.memory_space<hbm>>, %arg5: memref<640x128xf32, #tpu.memory_space<hbm>>, %arg6: memref<20480x128xf32, #tpu.memory_space<hbm>>, %arg7: memref<79x128xi32, #tpu.memory_space<vmem>>, %arg8: memref<79x128xi32, #tpu.memory_space<vmem>>, %arg9: memref<128x128xf32, #tpu.memory_space<vmem>>, %arg10: memref<10240x128xf32, #tpu.memory_space<vmem_shared>>, %arg11: memref<!tpu.dma_semaphore, #tpu.memory_space<semaphore_mem>>) attributes {dimension_semantics = [#tpu.dimension_semantics<core_parallel>, #tpu.dimension_semantics<subcore_parallel>], iteration_bounds = array<i64: 2, 16>, scalar_prefetch = 0 : i64, scratch_operands = 5 : i64, tpu.core_type = #tpu.core_type<sc_vector_subcore>, window_params = [{transform_indices = #map}, {transform_indices = #map1}, {transform_indices = #map1}, {transform_indices = #map}, {transform_indices = #map}]} {
    %mul3A = arith.constant 2 : i32
    %mul3A_0 = arith.muli %arg1, %mul3A : i32
    %add3A = arith.addi %mul3A_0, %arg0 : i32
    "tpu.region"() ({
      %run_scoped3A = tpu.sem_alloc : memref<!tpu.dma_semaphore, #tpu.memory_space<semaphore_mem>>
      %dma_start3A = arith.constant 0 : i32
      %dma_start3A_16 = arith.constant 0 : i32
      %dma_start3A_17 = tpu.memref_slice %arg3[%add3A, %dma_start3A, %dma_start3A_16] : memref<32x79x128xi32, #tpu.memory_space<hbm>> -> memref<1x79x128xi32, #tpu.memory_space<hbm>>
      %dma_start3A_18 = tpu.memref_squeeze %dma_start3A_17 : memref<1x79x128xi32, #tpu.memory_space<hbm>> -> memref<79x128xi32, #tpu.memory_space<hbm>>
      %dma_start3A_19 = arith.constant 0 : i32
      %dma_start3A_20 = arith.constant 0 : i32
      %dma_start3A_21 = tpu.memref_slice %arg3[%add3A, %dma_start3A_19, %dma_start3A_20] : memref<32x79x128xi32, #tpu.memory_space<hbm>> -> memref<1x79x128xi32, #tpu.memory_space<hbm>>
      %dma_start3A_22 = tpu.memref_squeeze %dma_start3A_21 : memref<1x79x128xi32, #tpu.memory_space<hbm>> -> memref<79x128xi32, #tpu.memory_space<hbm>>
      tpu.enqueue_dma source(%dma_start3A_22 : memref<79x128xi32, #tpu.memory_space<hbm>>) target(%arg7 : memref<79x128xi32, #tpu.memory_space<vmem>>) target_semaphore(%run_scoped3A : memref<!tpu.dma_semaphore, #tpu.memory_space<semaphore_mem>>)
      %dma_wait3A = arith.constant 0 : i32
      %dma_wait3A_23 = arith.constant 0 : i32
      %dma_wait3A_24 = tpu.memref_slice %arg3[%add3A, %dma_wait3A, %dma_wait3A_23] : memref<32x79x128xi32, #tpu.memory_space<hbm>> -> memref<1x79x128xi32, #tpu.memory_space<hbm>>
      %dma_wait3A_25 = tpu.memref_squeeze %dma_wait3A_24 : memref<1x79x128xi32, #tpu.memory_space<hbm>> -> memref<79x128xi32, #tpu.memory_space<hbm>>
      %dma_wait3A_26 = arith.constant 0 : i32
      %dma_wait3A_27 = arith.constant 0 : i32
      %dma_wait3A_28 = tpu.memref_slice %arg3[%add3A, %dma_wait3A_26, %dma_wait3A_27] : memref<32x79x128xi32, #tpu.memory_space<hbm>> -> memref<1x79x128xi32, #tpu.memory_space<hbm>>
      %dma_wait3A_29 = tpu.memref_squeeze %dma_wait3A_28 : memref<1x79x128xi32, #tpu.memory_space<hbm>> -> memref<79x128xi32, #tpu.memory_space<hbm>>
      tpu.wait_dma2 semaphore(%run_scoped3A : memref<!tpu.dma_semaphore, #tpu.memory_space<semaphore_mem>>) src(%dma_wait3A_29 : memref<79x128xi32, #tpu.memory_space<hbm>>) dst(%arg7 : memref<79x128xi32, #tpu.memory_space<vmem>>)
      tpu.yield
    }) : () -> ()
    "tpu.region"() ({
      %run_scoped3A = tpu.sem_alloc : memref<!tpu.dma_semaphore, #tpu.memory_space<semaphore_mem>>
      %dma_start3A = arith.constant 0 : i32
      %dma_start3A_16 = arith.constant 0 : i32
      %dma_start3A_17 = tpu.memref_slice %arg4[%add3A, %dma_start3A, %dma_start3A_16] : memref<32x79x128xi32, #tpu.memory_space<hbm>> -> memref<1x79x128xi32, #tpu.memory_space<hbm>>
      %dma_start3A_18 = tpu.memref_squeeze %dma_start3A_17 : memref<1x79x128xi32, #tpu.memory_space<hbm>> -> memref<79x128xi32, #tpu.memory_space<hbm>>
      %dma_start3A_19 = arith.constant 0 : i32
      %dma_start3A_20 = arith.constant 0 : i32
      %dma_start3A_21 = tpu.memref_slice %arg4[%add3A, %dma_start3A_19, %dma_start3A_20] : memref<32x79x128xi32, #tpu.memory_space<hbm>> -> memref<1x79x128xi32, #tpu.memory_space<hbm>>
      %dma_start3A_22 = tpu.memref_squeeze %dma_start3A_21 : memref<1x79x128xi32, #tpu.memory_space<hbm>> -> memref<79x128xi32, #tpu.memory_space<hbm>>
      tpu.enqueue_dma source(%dma_start3A_22 : memref<79x128xi32, #tpu.memory_space<hbm>>) target(%arg8 : memref<79x128xi32, #tpu.memory_space<vmem>>) target_semaphore(%run_scoped3A : memref<!tpu.dma_semaphore, #tpu.memory_space<semaphore_mem>>)
      %dma_wait3A = arith.constant 0 : i32
      %dma_wait3A_23 = arith.constant 0 : i32
      %dma_wait3A_24 = tpu.memref_slice %arg4[%add3A, %dma_wait3A, %dma_wait3A_23] : memref<32x79x128xi32, #tpu.memory_space<hbm>> -> memref<1x79x128xi32, #tpu.memory_space<hbm>>
      %dma_wait3A_25 = tpu.memref_squeeze %dma_wait3A_24 : memref<1x79x128xi32, #tpu.memory_space<hbm>> -> memref<79x128xi32, #tpu.memory_space<hbm>>
      %dma_wait3A_26 = arith.constant 0 : i32
      %dma_wait3A_27 = arith.constant 0 : i32
      %dma_wait3A_28 = tpu.memref_slice %arg4[%add3A, %dma_wait3A_26, %dma_wait3A_27] : memref<32x79x128xi32, #tpu.memory_space<hbm>> -> memref<1x79x128xi32, #tpu.memory_space<hbm>>
      %dma_wait3A_29 = tpu.memref_squeeze %dma_wait3A_28 : memref<1x79x128xi32, #tpu.memory_space<hbm>> -> memref<79x128xi32, #tpu.memory_space<hbm>>
      tpu.wait_dma2 semaphore(%run_scoped3A : memref<!tpu.dma_semaphore, #tpu.memory_space<semaphore_mem>>) src(%dma_wait3A_29 : memref<79x128xi32, #tpu.memory_space<hbm>>) dst(%arg8 : memref<79x128xi32, #tpu.memory_space<vmem>>)
      tpu.yield
    }) : () -> ()
    %mul3A_1 = arith.constant 640 : i32
    %mul3A_2 = arith.muli %arg1, %mul3A_1 : i32
    "tpu.region"() ({
      %run_scoped3A = tpu.sem_alloc : memref<!tpu.dma_semaphore, #tpu.memory_space<semaphore_mem>>
      %dma_start3A = arith.constant 0 : i32
      %dma_start3A_16 = tpu.memref_slice %arg10[%mul3A_2, %dma_start3A] : memref<10240x128xf32, #tpu.memory_space<vmem_shared>> -> memref<640x128xf32, #tpu.memory_space<vmem_shared>>
      tpu.enqueue_dma source(%arg5 : memref<640x128xf32, #tpu.memory_space<hbm>>) target(%dma_start3A_16 : memref<640x128xf32, #tpu.memory_space<vmem_shared>>) target_semaphore(%run_scoped3A : memref<!tpu.dma_semaphore, #tpu.memory_space<semaphore_mem>>)
      %dma_wait3A = arith.constant 0 : i32
      %dma_wait3A_17 = tpu.memref_slice %arg10[%mul3A_2, %dma_wait3A] : memref<10240x128xf32, #tpu.memory_space<vmem_shared>> -> memref<640x128xf32, #tpu.memory_space<vmem_shared>>
      tpu.wait_dma2 semaphore(%run_scoped3A : memref<!tpu.dma_semaphore, #tpu.memory_space<semaphore_mem>>) src(%arg5 : memref<640x128xf32, #tpu.memory_space<hbm>>) dst(%dma_wait3A_17 : memref<640x128xf32, #tpu.memory_space<vmem_shared>>)
      tpu.yield
    }) : () -> ()
    %barrier3A = arith.constant 0 : index
    tpu.barrier barrier_id(%barrier3A)
    %scan3A = arith.constant 0 : i32
    %scan3A_3 = arith.constant 0 : i32
    %scan3A_4 = arith.constant 79 : i32
    %scan3A_5 = arith.addi %scan3A_3, %scan3A_4 : i32
    %scan3A_6 = arith.constant 1 : i32
    scf.for %scan3A_16 = %scan3A_3 to %scan3A_5 step %scan3A_6  : i32 {
      %dma_start3A = arith.constant 0 : i32
      %dma_start3A_17 = tpu.memref_slice %arg7[%scan3A_16, %dma_start3A] : memref<79x128xi32, #tpu.memory_space<vmem>> -> memref<1x128xi32, #tpu.memory_space<vmem>>
      %dma_start3A_18 = tpu.memref_squeeze %dma_start3A_17 : memref<1x128xi32, #tpu.memory_space<vmem>> -> memref<128xi32, #tpu.memory_space<vmem>>
      %dma_start3A_19 = arith.constant 0 : i32
      %dma_start3A_20 = arith.constant 0 : i32
      %dma_start3A_21 = tpu.memref_slice %arg2[%dma_start3A_19, %dma_start3A_20] : memref<10240x128xf32, #tpu.memory_space<hbm>> -> memref<10240x128xf32, #tpu.memory_space<hbm>>
      tpu.enqueue_indirect_dma source(%dma_start3A_21 : memref<10240x128xf32, #tpu.memory_space<hbm>>) target(%arg9 : memref<128x128xf32, #tpu.memory_space<vmem>>) offsets(%dma_start3A_18 : memref<128xi32, #tpu.memory_space<vmem>>) semaphore(%arg11 : memref<!tpu.dma_semaphore, #tpu.memory_space<semaphore_mem>>)
      %dma_wait3A = arith.constant 0 : i32
      %dma_wait3A_22 = tpu.memref_slice %arg7[%scan3A_16, %dma_wait3A] : memref<79x128xi32, #tpu.memory_space<vmem>> -> memref<1x128xi32, #tpu.memory_space<vmem>>
      %dma_wait3A_23 = tpu.memref_squeeze %dma_wait3A_22 : memref<1x128xi32, #tpu.memory_space<vmem>> -> memref<128xi32, #tpu.memory_space<vmem>>
      %dma_wait3A_24 = arith.constant 0 : i32
      %dma_wait3A_25 = arith.constant 0 : i32
      %dma_wait3A_26 = tpu.memref_slice %arg2[%dma_wait3A_24, %dma_wait3A_25] : memref<10240x128xf32, #tpu.memory_space<hbm>> -> memref<10240x128xf32, #tpu.memory_space<hbm>>
      tpu.wait_indirect_dma semaphore(%arg11 : memref<!tpu.dma_semaphore, #tpu.memory_space<semaphore_mem>>) src(%dma_wait3A_26 : memref<10240x128xf32, #tpu.memory_space<hbm>>) dst(%arg9 : memref<128x128xf32, #tpu.memory_space<vmem>>)
      "tpu.region"() ({
        %run_scoped3A = tpu.sem_alloc : memref<!tpu.dma_semaphore, #tpu.memory_space<semaphore_mem>>
        %dma_start3A_27 = arith.constant 0 : i32
        %dma_start3A_28 = tpu.memref_slice %arg8[%scan3A_16, %dma_start3A_27] : memref<79x128xi32, #tpu.memory_space<vmem>> -> memref<1x128xi32, #tpu.memory_space<vmem>>
        %dma_start3A_29 = tpu.memref_squeeze %dma_start3A_28 : memref<1x128xi32, #tpu.memory_space<vmem>> -> memref<128xi32, #tpu.memory_space<vmem>>
        %dma_start3A_30 = arith.constant 0 : i32
        %dma_start3A_31 = arith.constant 0 : i32
        %dma_start3A_32 = tpu.memref_slice %arg10[%dma_start3A_30, %dma_start3A_31] : memref<10240x128xf32, #tpu.memory_space<vmem_shared>> -> memref<10240x128xf32, #tpu.memory_space<vmem_shared>>
        tpu.enqueue_indirect_dma source(%arg9 : memref<128x128xf32, #tpu.memory_space<vmem>>) target(%dma_start3A_32 : memref<10240x128xf32, #tpu.memory_space<vmem_shared>>) offsets(%dma_start3A_29 : memref<128xi32, #tpu.memory_space<vmem>>) semaphore(%run_scoped3A : memref<!tpu.dma_semaphore, #tpu.memory_space<semaphore_mem>>) {add = true}
        %dma_wait3A_33 = arith.constant 0 : i32
        %dma_wait3A_34 = tpu.memref_slice %arg8[%scan3A_16, %dma_wait3A_33] : memref<79x128xi32, #tpu.memory_space<vmem>> -> memref<1x128xi32, #tpu.memory_space<vmem>>
        %dma_wait3A_35 = tpu.memref_squeeze %dma_wait3A_34 : memref<1x128xi32, #tpu.memory_space<vmem>> -> memref<128xi32, #tpu.memory_space<vmem>>
        %dma_wait3A_36 = arith.constant 0 : i32
        %dma_wait3A_37 = arith.constant 0 : i32
        %dma_wait3A_38 = tpu.memref_slice %arg10[%dma_wait3A_36, %dma_wait3A_37] : memref<10240x128xf32, #tpu.memory_space<vmem_shared>> -> memref<10240x128xf32, #tpu.memory_space<vmem_shared>>
        tpu.wait_indirect_dma semaphore(%run_scoped3A : memref<!tpu.dma_semaphore, #tpu.memory_space<semaphore_mem>>) src(%arg9 : memref<128x128xf32, #tpu.memory_space<vmem>>) dst(%dma_wait3A_38 : memref<10240x128xf32, #tpu.memory_space<vmem_shared>>)
        tpu.yield
      }) : () -> ()
    }
    %scan3A_7 = arith.constant 79 : i32
    %barrier3A_8 = arith.constant 0 : index
    tpu.barrier barrier_id(%barrier3A_8)
    %mul3A_9 = arith.constant 640 : i32
    %mul3A_10 = arith.muli %arg1, %mul3A_9 : i32
    %mul3A_11 = arith.constant 10240 : i32
    %mul3A_12 = arith.muli %arg0, %mul3A_11 : i32
    %mul3A_13 = arith.constant 640 : i32
    %mul3A_14 = arith.muli %arg1, %mul3A_13 : i32
    %add3A_15 = arith.addi %mul3A_12, %mul3A_14 : i32
    "tpu.region"() ({
      %run_scoped3A = tpu.sem_alloc : memref<!tpu.dma_semaphore, #tpu.memory_space<semaphore_mem>>
      %dma_start3A = arith.constant 0 : i32
      %dma_start3A_16 = tpu.memref_slice %arg6[%add3A_15, %dma_start3A] : memref<20480x128xf32, #tpu.memory_space<hbm>> -> memref<640x128xf32, #tpu.memory_space<hbm>>
      %dma_start3A_17 = arith.constant 0 : i32
      %dma_start3A_18 = tpu.memref_slice %arg10[%mul3A_10, %dma_start3A_17] : memref<10240x128xf32, #tpu.memory_space<vmem_shared>> -> memref<640x128xf32, #tpu.memory_space<vmem_shared>>
      tpu.enqueue_dma source(%dma_start3A_18 : memref<640x128xf32, #tpu.memory_space<vmem_shared>>) target(%dma_start3A_16 : memref<640x128xf32, #tpu.memory_space<hbm>>) target_semaphore(%run_scoped3A : memref<!tpu.dma_semaphore, #tpu.memory_space<semaphore_mem>>)
      %dma_wait3A = arith.constant 0 : i32
      %dma_wait3A_19 = tpu.memref_slice %arg6[%add3A_15, %dma_wait3A] : memref<20480x128xf32, #tpu.memory_space<hbm>> -> memref<640x128xf32, #tpu.memory_space<hbm>>
      %dma_wait3A_20 = arith.constant 0 : i32
      %dma_wait3A_21 = tpu.memref_slice %arg10[%mul3A_10, %dma_wait3A_20] : memref<10240x128xf32, #tpu.memory_space<vmem_shared>> -> memref<640x128xf32, #tpu.memory_space<vmem_shared>>
      tpu.wait_dma2 semaphore(%run_scoped3A : memref<!tpu.dma_semaphore, #tpu.memory_space<semaphore_mem>>) src(%dma_wait3A_21 : memref<640x128xf32, #tpu.memory_space<vmem_shared>>) dst(%dma_wait3A_19 : memref<640x128xf32, #tpu.memory_space<hbm>>)
      tpu.yield
    }) : () -> ()
    return
  }
}

#map = affine_map<(d0, d1) -> (0, 0)>
#map1 = affine_map<(d0, d1) -> (0, 0, 0)>
module attributes {stable_mosaic.version = 14 : i64} {
  func.func @scatter(%arg0: i32, %arg1: i32, %arg2: memref<10240x128xf32, #tpu.memory_space<hbm>>, %arg3: memref<32x79x128xi32, #tpu.memory_space<hbm>>, %arg4: memref<32x79x128xi32, #tpu.memory_space<hbm>>, %arg5: memref<640x128xf32, #tpu.memory_space<hbm>>, %arg6: memref<20480x128xf32, #tpu.memory_space<hbm>>, %arg7: memref<79x128xi32, #tpu.memory_space<vmem>>, %arg8: memref<79x128xi32, #tpu.memory_space<vmem>>, %arg9: memref<128x128xf32, #tpu.memory_space<vmem>>, %arg10: memref<10240x128xf32, #tpu.memory_space<vmem_shared>>, %arg11: memref<!tpu.dma_semaphore, #tpu.memory_space<semaphore_mem>>) attributes {dimension_semantics = [#tpu.dimension_semantics<core_parallel>, #tpu.dimension_semantics<subcore_parallel>], iteration_bounds = array<i64: 2, 16>, scalar_prefetch = 0 : i64, scratch_operands = 5 : i64, tpu.core_type = #tpu.core_type<sc_vector_subcore>, window_params = [{transform_indices = #map}, {transform_indices = #map1}, {transform_indices = #map1}, {transform_indices = #map}, {transform_indices = #map}]} {
    %mul3A = arith.constant 2 : i32
    %mul3A_0 = arith.muli %arg1, %mul3A : i32
    %add3A = arith.addi %mul3A_0, %arg0 : i32
    "tpu.region"() ({
      %run_scoped3A = tpu.sem_alloc : memref<!tpu.dma_semaphore, #tpu.memory_space<semaphore_mem>>
      %dma_start3A = arith.constant 0 : i32
      %dma_start3A_16 = arith.constant 0 : i32
      %dma_start3A_17 = tpu.memref_slice %arg3[%add3A, %dma_start3A, %dma_start3A_16] : memref<32x79x128xi32, #tpu.memory_space<hbm>> -> memref<1x79x128xi32, #tpu.memory_space<hbm>>
      %dma_start3A_18 = tpu.memref_squeeze %dma_start3A_17 : memref<1x79x128xi32, #tpu.memory_space<hbm>> -> memref<79x128xi32, #tpu.memory_space<hbm>>
      %dma_start3A_19 = arith.constant 0 : i32
      %dma_start3A_20 = arith.constant 0 : i32
      %dma_start3A_21 = tpu.memref_slice %arg3[%add3A, %dma_start3A_19, %dma_start3A_20] : memref<32x79x128xi32, #tpu.memory_space<hbm>> -> memref<1x79x128xi32, #tpu.memory_space<hbm>>
      %dma_start3A_22 = tpu.memref_squeeze %dma_start3A_21 : memref<1x79x128xi32, #tpu.memory_space<hbm>> -> memref<79x128xi32, #tpu.memory_space<hbm>>
      tpu.enqueue_dma source(%dma_start3A_22 : memref<79x128xi32, #tpu.memory_space<hbm>>) target(%arg7 : memref<79x128xi32, #tpu.memory_space<vmem>>) target_semaphore(%run_scoped3A : memref<!tpu.dma_semaphore, #tpu.memory_space<semaphore_mem>>)
      %dma_wait3A = arith.constant 0 : i32
      %dma_wait3A_23 = arith.constant 0 : i32
      %dma_wait3A_24 = tpu.memref_slice %arg3[%add3A, %dma_wait3A, %dma_wait3A_23] : memref<32x79x128xi32, #tpu.memory_space<hbm>> -> memref<1x79x128xi32, #tpu.memory_space<hbm>>
      %dma_wait3A_25 = tpu.memref_squeeze %dma_wait3A_24 : memref<1x79x128xi32, #tpu.memory_space<hbm>> -> memref<79x128xi32, #tpu.memory_space<hbm>>
      %dma_wait3A_26 = arith.constant 0 : i32
      %dma_wait3A_27 = arith.constant 0 : i32
      %dma_wait3A_28 = tpu.memref_slice %arg3[%add3A, %dma_wait3A_26, %dma_wait3A_27] : memref<32x79x128xi32, #tpu.memory_space<hbm>> -> memref<1x79x128xi32, #tpu.memory_space<hbm>>
      %dma_wait3A_29 = tpu.memref_squeeze %dma_wait3A_28 : memref<1x79x128xi32, #tpu.memory_space<hbm>> -> memref<79x128xi32, #tpu.memory_space<hbm>>
      tpu.wait_dma2 semaphore(%run_scoped3A : memref<!tpu.dma_semaphore, #tpu.memory_space<semaphore_mem>>) src(%dma_wait3A_29 : memref<79x128xi32, #tpu.memory_space<hbm>>) dst(%arg7 : memref<79x128xi32, #tpu.memory_space<vmem>>)
      tpu.yield
    }) : () -> ()
    "tpu.region"() ({
      %run_scoped3A = tpu.sem_alloc : memref<!tpu.dma_semaphore, #tpu.memory_space<semaphore_mem>>
      %dma_start3A = arith.constant 0 : i32
      %dma_start3A_16 = arith.constant 0 : i32
      %dma_start3A_17 = tpu.memref_slice %arg4[%add3A, %dma_start3A, %dma_start3A_16] : memref<32x79x128xi32, #tpu.memory_space<hbm>> -> memref<1x79x128xi32, #tpu.memory_space<hbm>>
      %dma_start3A_18 = tpu.memref_squeeze %dma_start3A_17 : memref<1x79x128xi32, #tpu.memory_space<hbm>> -> memref<79x128xi32, #tpu.memory_space<hbm>>
      %dma_start3A_19 = arith.constant 0 : i32
      %dma_start3A_20 = arith.constant 0 : i32
      %dma_start3A_21 = tpu.memref_slice %arg4[%add3A, %dma_start3A_19, %dma_start3A_20] : memref<32x79x128xi32, #tpu.memory_space<hbm>> -> memref<1x79x128xi32, #tpu.memory_space<hbm>>
      %dma_start3A_22 = tpu.memref_squeeze %dma_start3A_21 : memref<1x79x128xi32, #tpu.memory_space<hbm>> -> memref<79x128xi32, #tpu.memory_space<hbm>>
      tpu.enqueue_dma source(%dma_start3A_22 : memref<79x128xi32, #tpu.memory_space<hbm>>) target(%arg8 : memref<79x128xi32, #tpu.memory_space<vmem>>) target_semaphore(%run_scoped3A : memref<!tpu.dma_semaphore, #tpu.memory_space<semaphore_mem>>)
      %dma_wait3A = arith.constant 0 : i32
      %dma_wait3A_23 = arith.constant 0 : i32
      %dma_wait3A_24 = tpu.memref_slice %arg4[%add3A, %dma_wait3A, %dma_wait3A_23] : memref<32x79x128xi32, #tpu.memory_space<hbm>> -> memref<1x79x128xi32, #tpu.memory_space<hbm>>
      %dma_wait3A_25 = tpu.memref_squeeze %dma_wait3A_24 : memref<1x79x128xi32, #tpu.memory_space<hbm>> -> memref<79x128xi32, #tpu.memory_space<hbm>>
      %dma_wait3A_26 = arith.constant 0 : i32
      %dma_wait3A_27 = arith.constant 0 : i32
      %dma_wait3A_28 = tpu.memref_slice %arg4[%add3A, %dma_wait3A_26, %dma_wait3A_27] : memref<32x79x128xi32, #tpu.memory_space<hbm>> -> memref<1x79x128xi32, #tpu.memory_space<hbm>>
      %dma_wait3A_29 = tpu.memref_squeeze %dma_wait3A_28 : memref<1x79x128xi32, #tpu.memory_space<hbm>> -> memref<79x128xi32, #tpu.memory_space<hbm>>
      tpu.wait_dma2 semaphore(%run_scoped3A : memref<!tpu.dma_semaphore, #tpu.memory_space<semaphore_mem>>) src(%dma_wait3A_29 : memref<79x128xi32, #tpu.memory_space<hbm>>) dst(%arg8 : memref<79x128xi32, #tpu.memory_space<vmem>>)
      tpu.yield
    }) : () -> ()
    %mul3A_1 = arith.constant 640 : i32
    %mul3A_2 = arith.muli %arg1, %mul3A_1 : i32
    "tpu.region"() ({
      %run_scoped3A = tpu.sem_alloc : memref<!tpu.dma_semaphore, #tpu.memory_space<semaphore_mem>>
      %dma_start3A = arith.constant 0 : i32
      %dma_start3A_16 = tpu.memref_slice %arg10[%mul3A_2, %dma_start3A] : memref<10240x128xf32, #tpu.memory_space<vmem_shared>> -> memref<640x128xf32, #tpu.memory_space<vmem_shared>>
      tpu.enqueue_dma source(%arg5 : memref<640x128xf32, #tpu.memory_space<hbm>>) target(%dma_start3A_16 : memref<640x128xf32, #tpu.memory_space<vmem_shared>>) target_semaphore(%run_scoped3A : memref<!tpu.dma_semaphore, #tpu.memory_space<semaphore_mem>>)
      %dma_wait3A = arith.constant 0 : i32
      %dma_wait3A_17 = tpu.memref_slice %arg10[%mul3A_2, %dma_wait3A] : memref<10240x128xf32, #tpu.memory_space<vmem_shared>> -> memref<640x128xf32, #tpu.memory_space<vmem_shared>>
      tpu.wait_dma2 semaphore(%run_scoped3A : memref<!tpu.dma_semaphore, #tpu.memory_space<semaphore_mem>>) src(%arg5 : memref<640x128xf32, #tpu.memory_space<hbm>>) dst(%dma_wait3A_17 : memref<640x128xf32, #tpu.memory_space<vmem_shared>>)
      tpu.yield
    }) : () -> ()
    %barrier3A = arith.constant 0 : index
    tpu.barrier barrier_id(%barrier3A)
    %scan3A = arith.constant 0 : i32
    %scan3A_3 = arith.constant 0 : i32
    %scan3A_4 = arith.constant 79 : i32
    %scan3A_5 = arith.addi %scan3A_3, %scan3A_4 : i32
    %scan3A_6 = arith.constant 1 : i32
    scf.for %scan3A_16 = %scan3A_3 to %scan3A_5 step %scan3A_6  : i32 {
      %dma_start3A = arith.constant 0 : i32
      %dma_start3A_17 = tpu.memref_slice %arg7[%scan3A_16, %dma_start3A] : memref<79x128xi32, #tpu.memory_space<vmem>> -> memref<1x128xi32, #tpu.memory_space<vmem>>
      %dma_start3A_18 = tpu.memref_squeeze %dma_start3A_17 : memref<1x128xi32, #tpu.memory_space<vmem>> -> memref<128xi32, #tpu.memory_space<vmem>>
      %dma_start3A_19 = arith.constant 0 : i32
      %dma_start3A_20 = arith.constant 0 : i32
      %dma_start3A_21 = tpu.memref_slice %arg2[%dma_start3A_19, %dma_start3A_20] : memref<10240x128xf32, #tpu.memory_space<hbm>> -> memref<10240x128xf32, #tpu.memory_space<hbm>>
      tpu.enqueue_indirect_dma source(%dma_start3A_21 : memref<10240x128xf32, #tpu.memory_space<hbm>>) target(%arg9 : memref<128x128xf32, #tpu.memory_space<vmem>>) offsets(%dma_start3A_18 : memref<128xi32, #tpu.memory_space<vmem>>) semaphore(%arg11 : memref<!tpu.dma_semaphore, #tpu.memory_space<semaphore_mem>>)
      %dma_wait3A = arith.constant 0 : i32
      %dma_wait3A_22 = tpu.memref_slice %arg7[%scan3A_16, %dma_wait3A] : memref<79x128xi32, #tpu.memory_space<vmem>> -> memref<1x128xi32, #tpu.memory_space<vmem>>
      %dma_wait3A_23 = tpu.memref_squeeze %dma_wait3A_22 : memref<1x128xi32, #tpu.memory_space<vmem>> -> memref<128xi32, #tpu.memory_space<vmem>>
      %dma_wait3A_24 = arith.constant 0 : i32
      %dma_wait3A_25 = arith.constant 0 : i32
      %dma_wait3A_26 = tpu.memref_slice %arg2[%dma_wait3A_24, %dma_wait3A_25] : memref<10240x128xf32, #tpu.memory_space<hbm>> -> memref<10240x128xf32, #tpu.memory_space<hbm>>
      tpu.wait_indirect_dma semaphore(%arg11 : memref<!tpu.dma_semaphore, #tpu.memory_space<semaphore_mem>>) src(%dma_wait3A_26 : memref<10240x128xf32, #tpu.memory_space<hbm>>) dst(%arg9 : memref<128x128xf32, #tpu.memory_space<vmem>>)
      "tpu.region"() ({
        %run_scoped3A = tpu.sem_alloc : memref<!tpu.dma_semaphore, #tpu.memory_space<semaphore_mem>>
        %dma_start3A_27 = arith.constant 0 : i32
        %dma_start3A_28 = tpu.memref_slice %arg8[%scan3A_16, %dma_start3A_27] : memref<79x128xi32, #tpu.memory_space<vmem>> -> memref<1x128xi32, #tpu.memory_space<vmem>>
        %dma_start3A_29 = tpu.memref_squeeze %dma_start3A_28 : memref<1x128xi32, #tpu.memory_space<vmem>> -> memref<128xi32, #tpu.memory_space<vmem>>
        %dma_start3A_30 = arith.constant 0 : i32
        %dma_start3A_31 = arith.constant 0 : i32
        %dma_start3A_32 = tpu.memref_slice %arg10[%dma_start3A_30, %dma_start3A_31] : memref<10240x128xf32, #tpu.memory_space<vmem_shared>> -> memref<10240x128xf32, #tpu.memory_space<vmem_shared>>
        tpu.enqueue_indirect_dma source(%arg9 : memref<128x128xf32, #tpu.memory_space<vmem>>) target(%dma_start3A_32 : memref<10240x128xf32, #tpu.memory_space<vmem_shared>>) offsets(%dma_start3A_29 : memref<128xi32, #tpu.memory_space<vmem>>) semaphore(%run_scoped3A : memref<!tpu.dma_semaphore, #tpu.memory_space<semaphore_mem>>) {add = true}
        %dma_wait3A_33 = arith.constant 0 : i32
        %dma_wait3A_34 = tpu.memref_slice %arg8[%scan3A_16, %dma_wait3A_33] : memref<79x128xi32, #tpu.memory_space<vmem>> -> memref<1x128xi32, #tpu.memory_space<vmem>>
        %dma_wait3A_35 = tpu.memref_squeeze %dma_wait3A_34 : memref<1x128xi32, #tpu.memory_space<vmem>> -> memref<128xi32, #tpu.memory_space<vmem>>
        %dma_wait3A_36 = arith.constant 0 : i32
        %dma_wait3A_37 = arith.constant 0 : i32
        %dma_wait3A_38 = tpu.memref_slice %arg10[%dma_wait3A_36, %dma_wait3A_37] : memref<10240x128xf32, #tpu.memory_space<vmem_shared>> -> memref<10240x128xf32, #tpu.memory_space<vmem_shared>>
        tpu.wait_indirect_dma semaphore(%run_scoped3A : memref<!tpu.dma_semaphore, #tpu.memory_space<semaphore_mem>>) src(%arg9 : memref<128x128xf32, #tpu.memory_space<vmem>>) dst(%dma_wait3A_38 : memref<10240x128xf32, #tpu.memory_space<vmem_shared>>)
        tpu.yield
      }) : () -> ()
    }
    %scan3A_7 = arith.constant 79 : i32
    %barrier3A_8 = arith.constant 0 : index
    tpu.barrier barrier_id(%barrier3A_8)
    %mul3A_9 = arith.constant 640 : i32
    %mul3A_10 = arith.muli %arg1, %mul3A_9 : i32
    %mul3A_11 = arith.constant 10240 : i32
    %mul3A_12 = arith.muli %arg0, %mul3A_11 : i32
    %mul3A_13 = arith.constant 640 : i32
    %mul3A_14 = arith.muli %arg1, %mul3A_13 : i32
    %add3A_15 = arith.addi %mul3A_12, %mul3A_14 : i32
    "tpu.region"() ({
      %run_scoped3A = tpu.sem_alloc : memref<!tpu.dma_semaphore, #tpu.memory_space<semaphore_mem>>
      %dma_start3A = arith.constant 0 : i32
      %dma_start3A_16 = tpu.memref_slice %arg6[%add3A_15, %dma_start3A] : memref<20480x128xf32, #tpu.memory_space<hbm>> -> memref<640x128xf32, #tpu.memory_space<hbm>>
      %dma_start3A_17 = arith.constant 0 : i32
      %dma_start3A_18 = tpu.memref_slice %arg10[%mul3A_10, %dma_start3A_17] : memref<10240x128xf32, #tpu.memory_space<vmem_shared>> -> memref<640x128xf32, #tpu.memory_space<vmem_shared>>
      tpu.enqueue_dma source(%dma_start3A_18 : memref<640x128xf32, #tpu.memory_space<vmem_shared>>) target(%dma_start3A_16 : memref<640x128xf32, #tpu.memory_space<hbm>>) target_semaphore(%run_scoped3A : memref<!tpu.dma_semaphore, #tpu.memory_space<semaphore_mem>>)
      %dma_wait3A = arith.constant 0 : i32
      %dma_wait3A_19 = tpu.memref_slice %arg6[%add3A_15, %dma_wait3A] : memref<20480x128xf32, #tpu.memory_space<hbm>> -> memref<640x128xf32, #tpu.memory_space<hbm>>
      %dma_wait3A_20 = arith.constant 0 : i32
      %dma_wait3A_21 = tpu.memref_slice %arg10[%mul3A_10, %dma_wait3A_20] : memref<10240x128xf32, #tpu.memory_space<vmem_shared>> -> memref<640x128xf32, #tpu.memory_space<vmem_shared>>
      tpu.wait_dma2 semaphore(%run_scoped3A : memref<!tpu.dma_semaphore, #tpu.memory_space<semaphore_mem>>) src(%dma_wait3A_21 : memref<640x128xf32, #tpu.memory_space<vmem_shared>>) dst(%dma_wait3A_19 : memref<640x128xf32, #tpu.memory_space<hbm>>)
      tpu.yield
    }) : () -> ()
    return
  }
}

module attributes {stable_mosaic.version = 14 : i64} {
  func.func @body(%arg0: i32, %arg1: memref<1024x128xf32, #tpu.memory_space<vmem>>, %arg2: memref<1024x128xf32, #tpu.memory_space<vmem>>, %arg3: memref<1024x128xf32, #tpu.memory_space<vmem>>, %arg4: memref<128x128xf32, #tpu.memory_space<vmem>>, %arg5: memref<1x128xf32, #tpu.memory_space<vmem>>, %arg6: memref<128x128xf32, #tpu.memory_space<vmem>>, %arg7: memref<1024x128xf32, #tpu.memory_space<vmem>>, %arg8: memref<1024x128xf32, #tpu.memory_space<vmem>>) attributes {dimension_semantics = [#tpu.dimension_semantics<arbitrary>], iteration_bounds = array<i64: 10>, scalar_prefetch = 0 : i64, scratch_operands = 0 : i64, tpu.core_type = #tpu.core_type<tc>, window_params = [{transform_indices = @transform_0, window_bounds = array<i64: 1024, 128>}, {transform_indices = @transform_1, window_bounds = array<i64: 1024, 128>}, {transform_indices = @transform_2, window_bounds = array<i64: 1024, 128>}, {pipeline_mode = #tpu.pipeline_mode<synchronous>, transform_indices = @transform_3, window_bounds = array<i64: 128, 128>}, {pipeline_mode = #tpu.pipeline_mode<synchronous>, transform_indices = @transform_4, window_bounds = array<i64: 1, 128>}, {pipeline_mode = #tpu.pipeline_mode<synchronous>, transform_indices = @transform_5, window_bounds = array<i64: 128, 128>}, {transform_indices = @transform_6, window_bounds = array<i64: 1024, 128>}, {transform_indices = @transform_7, window_bounds = array<i64: 1024, 128>}]} {
    %get3A = arith.constant 0 : index
    %get3A_0 = arith.constant 0 : index
    %get3A_1 = vector.load %arg2[%get3A, %get3A_0] : memref<1024x128xf32, #tpu.memory_space<vmem>>, vector<1024x1xf32>
    %get3A_2 = arith.constant 0 : index
    %get3A_3 = arith.constant 0 : index
    %get3A_4 = vector.load %arg3[%get3A_2, %get3A_3] : memref<1024x128xf32, #tpu.memory_space<vmem>>, vector<1024x1xf32>
    %add3A = arith.addf %get3A_1, %get3A_4 : vector<1024x1xf32>
    %add3A_5 = arith.constant 1.000000e+00 : f32
    %add3A_6 = vector.broadcast %add3A_5 : f32 to vector<1024x1xf32>
    %add3A_7 = arith.addf %add3A, %add3A_6 : vector<1024x1xf32>
    %iota3A = tpu.iota {dimensions = array<i32: 0>} : vector<1024x1xi32>
    %mul3A = arith.constant 1024 : i32
    %mul3A_8 = arith.muli %arg0, %mul3A : i32
    %add3A_9 = vector.broadcast %mul3A_8 : i32 to vector<1024x1xi32>
    %add3A_10 = arith.addi %iota3A, %add3A_9 : vector<1024x1xi32>
    %lt3A = arith.constant 10000 : i32
    %lt3A_11 = vector.broadcast %lt3A : i32 to vector<1024x1xi32>
    %lt3A_12 = arith.cmpi slt, %add3A_10, %lt3A_11 : vector<1024x1xi32>
    %rsqrt3A = math.rsqrt %add3A_7 : vector<1024x1xf32>
    %jit3A = arith.constant 0.000000e+00 : f32
    %broadcast_in_dim3A = vector.broadcast %jit3A : f32 to vector<1024x1xf32>
    %select_n3A = arith.select %lt3A_12, %rsqrt3A, %broadcast_in_dim3A : vector<1024x1xi1>, vector<1024x1xf32>
    %get3A_13 = arith.constant 0 : index
    %get3A_14 = arith.constant 0 : index
    %get3A_15 = vector.load %arg1[%get3A_13, %get3A_14] : memref<1024x128xf32, #tpu.memory_space<vmem>>, vector<1024x128xf32>
    %get3A_16 = arith.constant 0 : index
    %get3A_17 = arith.constant 0 : index
    %get3A_18 = vector.load %arg4[%get3A_16, %get3A_17] : memref<128x128xf32, #tpu.memory_space<vmem>>, vector<128x128xf32>
    %dot_general3A = arith.constant dense<0.000000e+00> : vector<1024x128xf32>
    %dot_general3A_19 = tpu.matmul %get3A_15, %get3A_18, %dot_general3A {dimension_numbers = #tpu.dot_dimension_numbers<[1], [0], [0], [1], [0, 0, 1, 1], [], []>, transpose_lhs_hint = false} : vector<1024x128xf32>, vector<128x128xf32>, vector<1024x128xf32> -> vector<1024x128xf32>
    %get3A_20 = arith.constant 0 : index
    %get3A_21 = arith.constant 0 : index
    %get3A_22 = vector.load %arg5[%get3A_20, %get3A_21] : memref<1x128xf32, #tpu.memory_space<vmem>>, vector<1x128xf32>
    %add3A_23 = vector.broadcast %get3A_22 : vector<1x128xf32> to vector<1024x128xf32>
    %add3A_24 = arith.addf %dot_general3A_19, %add3A_23 : vector<1024x128xf32>
    %get3A_25 = arith.constant 0 : index
    %get3A_26 = arith.constant 0 : index
    %get3A_27 = vector.load %arg6[%get3A_25, %get3A_26] : memref<128x128xf32, #tpu.memory_space<vmem>>, vector<128x128xf32>
    %dot_general3A_28 = arith.constant dense<0.000000e+00> : vector<1024x128xf32>
    %dot_general3A_29 = tpu.matmul %add3A_24, %get3A_27, %dot_general3A_28 {dimension_numbers = #tpu.dot_dimension_numbers<[1], [0], [0], [1], [0, 0, 1, 1], [], []>, transpose_lhs_hint = false} : vector<1024x128xf32>, vector<128x128xf32>, vector<1024x128xf32> -> vector<1024x128xf32>
    %mul3A_30 = vector.broadcast %select_n3A : vector<1024x1xf32> to vector<1024x128xf32>
    %mul3A_31 = arith.mulf %dot_general3A_29, %mul3A_30 : vector<1024x128xf32>
    %swap3A = arith.constant 0 : index
    %swap3A_32 = arith.constant 0 : index
    %swap3A_33 = vector.load %arg7[%swap3A, %swap3A_32] : memref<1024x128xf32, #tpu.memory_space<vmem>>, vector<1024x128xf32>
    tpu.vector_store %arg7[%swap3A, %swap3A_32], %mul3A_31 {strides = array<i32>} : memref<1024x128xf32, #tpu.memory_space<vmem>>, vector<1024x128xf32>,
    %broadcast_in_dim3A_34 = vector.shape_cast %select_n3A : vector<1024x1xf32> to vector<1024x1xf32>
    %broadcast_in_dim3A_35 = vector.broadcast %broadcast_in_dim3A_34 : vector<1024x1xf32> to vector<1024x128xf32>
    %swap3A_36 = arith.constant 0 : index
    %swap3A_37 = arith.constant 0 : index
    %swap3A_38 = vector.load %arg8[%swap3A_36, %swap3A_37] : memref<1024x128xf32, #tpu.memory_space<vmem>>, vector<1024x128xf32>
    tpu.vector_store %arg8[%swap3A_36, %swap3A_37], %broadcast_in_dim3A_35 {strides = array<i32>} : memref<1024x128xf32, #tpu.memory_space<vmem>>, vector<1024x128xf32>,
    return
  }
  func.func @transform_0(%arg0: i32) -> (i32, i32) {
    %c0_i32 = arith.constant 0 : i32
    %c0_i32_0 = arith.constant 0 : i32
    return %arg0, %c0_i32 : i32, i32
  }
  func.func @transform_1(%arg0: i32) -> (i32, i32) {
    %c0_i32 = arith.constant 0 : i32
    %c0_i32_0 = arith.constant 0 : i32
    return %arg0, %c0_i32 : i32, i32
  }
  func.func @transform_2(%arg0: i32) -> (i32, i32) {
    %c0_i32 = arith.constant 0 : i32
    %c0_i32_0 = arith.constant 0 : i32
    return %arg0, %c0_i32 : i32, i32
  }
  func.func @transform_3(%arg0: i32) -> (i32, i32) {
    %c0_i32 = arith.constant 0 : i32
    %c0_i32_0 = arith.constant 0 : i32
    %c0_i32_1 = arith.constant 0 : i32
    return %c0_i32, %c0_i32_0 : i32, i32
  }
  func.func @transform_4(%arg0: i32) -> (i32, i32) {
    %c0_i32 = arith.constant 0 : i32
    %c0_i32_0 = arith.constant 0 : i32
    %c0_i32_1 = arith.constant 0 : i32
    return %c0_i32, %c0_i32_0 : i32, i32
  }
  func.func @transform_5(%arg0: i32) -> (i32, i32) {
    %c0_i32 = arith.constant 0 : i32
    %c0_i32_0 = arith.constant 0 : i32
    %c0_i32_1 = arith.constant 0 : i32
    return %c0_i32, %c0_i32_0 : i32, i32
  }
  func.func @transform_6(%arg0: i32) -> (i32, i32) {
    %c0_i32 = arith.constant 0 : i32
    %c0_i32_0 = arith.constant 0 : i32
    return %arg0, %c0_i32 : i32, i32
  }
  func.func @transform_7(%arg0: i32) -> (i32, i32) {
    %c0_i32 = arith.constant 0 : i32
    %c0_i32_0 = arith.constant 0 : i32
    return %arg0, %c0_i32 : i32, i32
  }
}

module attributes {stable_mosaic.version = 14 : i64} {
  func.func @body(%arg0: i32, %arg1: memref<1024x128xf32, #tpu.memory_space<vmem>>, %arg2: memref<1024x128xf32, #tpu.memory_space<vmem>>, %arg3: memref<1024x128xf32, #tpu.memory_space<vmem>>, %arg4: memref<1024x128xf32, #tpu.memory_space<vmem>>, %arg5: memref<1x128xf32, #tpu.memory_space<vmem>>, %arg6: memref<128x128xf32, #tpu.memory_space<vmem>>, %arg7: memref<1024x128xf32, #tpu.memory_space<vmem>>) attributes {dimension_semantics = [#tpu.dimension_semantics<arbitrary>], iteration_bounds = array<i64: 10>, scalar_prefetch = 0 : i64, scratch_operands = 0 : i64, tpu.core_type = #tpu.core_type<tc>, window_params = [{transform_indices = @transform_0, window_bounds = array<i64: 1024, 128>}, {transform_indices = @transform_1, window_bounds = array<i64: 1024, 128>}, {transform_indices = @transform_2, window_bounds = array<i64: 1024, 128>}, {transform_indices = @transform_3, window_bounds = array<i64: 1024, 128>}, {pipeline_mode = #tpu.pipeline_mode<synchronous>, transform_indices = @transform_4, window_bounds = array<i64: 1, 128>}, {pipeline_mode = #tpu.pipeline_mode<synchronous>, transform_indices = @transform_5, window_bounds = array<i64: 128, 128>}, {transform_indices = @transform_6, window_bounds = array<i64: 1024, 128>}]} {
    %get3A = arith.constant 0 : index
    %get3A_0 = arith.constant 0 : index
    %get3A_1 = vector.load %arg4[%get3A, %get3A_0] : memref<1024x128xf32, #tpu.memory_space<vmem>>, vector<1024x128xf32>
    %get3A_2 = arith.constant 0 : index
    %get3A_3 = arith.constant 0 : index
    %get3A_4 = vector.load %arg1[%get3A_2, %get3A_3] : memref<1024x128xf32, #tpu.memory_space<vmem>>, vector<1024x128xf32>
    %get3A_5 = arith.constant 0 : index
    %get3A_6 = arith.constant 0 : index
    %get3A_7 = vector.load %arg2[%get3A_5, %get3A_6] : memref<1024x128xf32, #tpu.memory_space<vmem>>, vector<1024x128xf32>
    %add3A = arith.addf %get3A_4, %get3A_7 : vector<1024x128xf32>
    %get3A_8 = arith.constant 0 : index
    %get3A_9 = arith.constant 0 : index
    %get3A_10 = vector.load %arg3[%get3A_8, %get3A_9] : memref<1024x128xf32, #tpu.memory_space<vmem>>, vector<1024x128xf32>
    %add3A_11 = arith.addf %add3A, %get3A_10 : vector<1024x128xf32>
    %mul3A = arith.mulf %add3A_11, %get3A_1 : vector<1024x128xf32>
    %get3A_12 = arith.constant 0 : index
    %get3A_13 = arith.constant 0 : index
    %get3A_14 = vector.load %arg5[%get3A_12, %get3A_13] : memref<1x128xf32, #tpu.memory_space<vmem>>, vector<1x128xf32>
    %add3A_15 = vector.broadcast %get3A_14 : vector<1x128xf32> to vector<1024x128xf32>
    %add3A_16 = arith.addf %mul3A, %add3A_15 : vector<1024x128xf32>
    %max3A = arith.constant 0.000000e+00 : f32
    %max3A_17 = vector.broadcast %max3A : f32 to vector<1024x128xf32>
    %max3A_18 = arith.maximumf %add3A_16, %max3A_17 : vector<1024x128xf32>
    %get3A_19 = arith.constant 0 : index
    %get3A_20 = arith.constant 0 : index
    %get3A_21 = vector.load %arg6[%get3A_19, %get3A_20] : memref<128x128xf32, #tpu.memory_space<vmem>>, vector<128x128xf32>
    %dot_general3A = arith.constant dense<0.000000e+00> : vector<1024x128xf32>
    %dot_general3A_22 = tpu.matmul %max3A_18, %get3A_21, %dot_general3A {dimension_numbers = #tpu.dot_dimension_numbers<[1], [0], [0], [1], [0, 0, 1, 1], [], []>, transpose_lhs_hint = false} : vector<1024x128xf32>, vector<128x128xf32>, vector<1024x128xf32> -> vector<1024x128xf32>
    %mul3A_23 = arith.mulf %dot_general3A_22, %get3A_1 : vector<1024x128xf32>
    %swap3A = arith.constant 0 : index
    %swap3A_24 = arith.constant 0 : index
    %swap3A_25 = vector.load %arg7[%swap3A, %swap3A_24] : memref<1024x128xf32, #tpu.memory_space<vmem>>, vector<1024x128xf32>
    tpu.vector_store %arg7[%swap3A, %swap3A_24], %mul3A_23 {strides = array<i32>} : memref<1024x128xf32, #tpu.memory_space<vmem>>, vector<1024x128xf32>,
    return
  }
  func.func @transform_0(%arg0: i32) -> (i32, i32) {
    %c0_i32 = arith.constant 0 : i32
    %c0_i32_0 = arith.constant 0 : i32
    return %arg0, %c0_i32 : i32, i32
  }
  func.func @transform_1(%arg0: i32) -> (i32, i32) {
    %c0_i32 = arith.constant 0 : i32
    %c0_i32_0 = arith.constant 0 : i32
    return %arg0, %c0_i32 : i32, i32
  }
  func.func @transform_2(%arg0: i32) -> (i32, i32) {
    %c0_i32 = arith.constant 0 : i32
    %c0_i32_0 = arith.constant 0 : i32
    return %arg0, %c0_i32 : i32, i32
  }
  func.func @transform_3(%arg0: i32) -> (i32, i32) {
    %c0_i32 = arith.constant 0 : i32
    %c0_i32_0 = arith.constant 0 : i32
    return %arg0, %c0_i32 : i32, i32
  }
  func.func @transform_4(%arg0: i32) -> (i32, i32) {
    %c0_i32 = arith.constant 0 : i32
    %c0_i32_0 = arith.constant 0 : i32
    %c0_i32_1 = arith.constant 0 : i32
    return %c0_i32, %c0_i32_0 : i32, i32
  }
  func.func @transform_5(%arg0: i32) -> (i32, i32) {
    %c0_i32 = arith.constant 0 : i32
    %c0_i32_0 = arith.constant 0 : i32
    %c0_i32_1 = arith.constant 0 : i32
    return %c0_i32, %c0_i32_0 : i32, i32
  }
  func.func @transform_6(%arg0: i32) -> (i32, i32) {
    %c0_i32 = arith.constant 0 : i32
    %c0_i32_0 = arith.constant 0 : i32
    return %arg0, %c0_i32 : i32, i32
  }
}

module attributes {stable_mosaic.version = 14 : i64} {
  func.func @body(%arg0: i32, %arg1: memref<1024x128xf32, #tpu.memory_space<vmem>>, %arg2: memref<1024x128xf32, #tpu.memory_space<vmem>>, %arg3: memref<1024x128xf32, #tpu.memory_space<vmem>>, %arg4: memref<1024x128xf32, #tpu.memory_space<vmem>>, %arg5: memref<1x128xf32, #tpu.memory_space<vmem>>, %arg6: memref<1024x128xf32, #tpu.memory_space<vmem>>) attributes {dimension_semantics = [#tpu.dimension_semantics<arbitrary>], iteration_bounds = array<i64: 10>, scalar_prefetch = 0 : i64, scratch_operands = 0 : i64, tpu.core_type = #tpu.core_type<tc>, window_params = [{transform_indices = @transform_0, window_bounds = array<i64: 1024, 128>}, {transform_indices = @transform_1, window_bounds = array<i64: 1024, 128>}, {transform_indices = @transform_2, window_bounds = array<i64: 1024, 128>}, {transform_indices = @transform_3, window_bounds = array<i64: 1024, 128>}, {pipeline_mode = #tpu.pipeline_mode<synchronous>, transform_indices = @transform_4, window_bounds = array<i64: 1, 128>}, {transform_indices = @transform_5, window_bounds = array<i64: 1024, 128>}]} {
    %get3A = arith.constant 0 : index
    %get3A_0 = arith.constant 0 : index
    %get3A_1 = vector.load %arg1[%get3A, %get3A_0] : memref<1024x128xf32, #tpu.memory_space<vmem>>, vector<1024x128xf32>
    %get3A_2 = arith.constant 0 : index
    %get3A_3 = arith.constant 0 : index
    %get3A_4 = vector.load %arg2[%get3A_2, %get3A_3] : memref<1024x128xf32, #tpu.memory_space<vmem>>, vector<1024x128xf32>
    %add3A = arith.addf %get3A_1, %get3A_4 : vector<1024x128xf32>
    %get3A_5 = arith.constant 0 : index
    %get3A_6 = arith.constant 0 : index
    %get3A_7 = vector.load %arg3[%get3A_5, %get3A_6] : memref<1024x128xf32, #tpu.memory_space<vmem>>, vector<1024x128xf32>
    %add3A_8 = arith.addf %add3A, %get3A_7 : vector<1024x128xf32>
    %get3A_9 = arith.constant 0 : index
    %get3A_10 = arith.constant 0 : index
    %get3A_11 = vector.load %arg4[%get3A_9, %get3A_10] : memref<1024x128xf32, #tpu.memory_space<vmem>>, vector<1024x128xf32>
    %mul3A = arith.mulf %add3A_8, %get3A_11 : vector<1024x128xf32>
    %get3A_12 = arith.constant 0 : index
    %get3A_13 = arith.constant 0 : index
    %get3A_14 = vector.load %arg5[%get3A_12, %get3A_13] : memref<1x128xf32, #tpu.memory_space<vmem>>, vector<1x128xf32>
    %add3A_15 = vector.broadcast %get3A_14 : vector<1x128xf32> to vector<1024x128xf32>
    %add3A_16 = arith.addf %mul3A, %add3A_15 : vector<1024x128xf32>
    %swap3A = arith.constant 0 : index
    %swap3A_17 = arith.constant 0 : index
    %swap3A_18 = vector.load %arg6[%swap3A, %swap3A_17] : memref<1024x128xf32, #tpu.memory_space<vmem>>, vector<1024x128xf32>
    tpu.vector_store %arg6[%swap3A, %swap3A_17], %add3A_16 {strides = array<i32>} : memref<1024x128xf32, #tpu.memory_space<vmem>>, vector<1024x128xf32>,
    return
  }
  func.func @transform_0(%arg0: i32) -> (i32, i32) {
    %c0_i32 = arith.constant 0 : i32
    %c0_i32_0 = arith.constant 0 : i32
    return %arg0, %c0_i32 : i32, i32
  }
  func.func @transform_1(%arg0: i32) -> (i32, i32) {
    %c0_i32 = arith.constant 0 : i32
    %c0_i32_0 = arith.constant 0 : i32
    return %arg0, %c0_i32 : i32, i32
  }
  func.func @transform_2(%arg0: i32) -> (i32, i32) {
    %c0_i32 = arith.constant 0 : i32
    %c0_i32_0 = arith.constant 0 : i32
    return %arg0, %c0_i32 : i32, i32
  }
  func.func @transform_3(%arg0: i32) -> (i32, i32) {
    %c0_i32 = arith.constant 0 : i32
    %c0_i32_0 = arith.constant 0 : i32
    return %arg0, %c0_i32 : i32, i32
  }
  func.func @transform_4(%arg0: i32) -> (i32, i32) {
    %c0_i32 = arith.constant 0 : i32
    %c0_i32_0 = arith.constant 0 : i32
    %c0_i32_1 = arith.constant 0 : i32
    return %c0_i32, %c0_i32_0 : i32, i32
  }
  func.func @transform_5(%arg0: i32) -> (i32, i32) {
    %c0_i32 = arith.constant 0 : i32
    %c0_i32_0 = arith.constant 0 : i32
    return %arg0, %c0_i32 : i32, i32
  }
}

</mosaic_0001>

<sc_bundles>
// kernel: kernel.10.cloned.1.call-start
scs
__scs_entry_jumppad:
0x0: {  	(pc) =	sbr.rel $0x88, $3  }
0x1: {  	(tag) =	ssettag $0x0;
	lr =	simm.s32 $0x1  }
0x2: {  	[smem:$0x3F97] =	sst lr;
	_ =	strace $0xD0000000  }
0x3: {  	_ = 	snop  }
0x4: {  	_ = 	snop  }
0x5: {  	_ = 	snop  }
0x6: {  	_ = 	snop  }
0x7: {  	_ = 	snop  }
__scs_overlays_trampoline_lowered:
0x8: {  	[smem:$0x3FA6] =	sst s0  }
0x9: {  	[smem:$0x3FA7] =	sst s1  }
0xa: {  	[smem:$0x3FA8] =	sst s2  }
0xb: {  	[smem:$0x3FA9] =	sst s3  }
0xc: {  	[smem:$0x3FAA] =	sst s4  }
0xd: {  	[smem:$0x3FAB] =	sst s5  }
0xe: {  	[smem:$0x3FAC] =	sst s6  }
0xf: {  	[smem:$0x3FAD] =	sst s7  }
0x10: {  	[smem:$0x3FAE] =	sst s8  }
0x11: {  	[smem:$0x3FAF] =	sst s9;
	s0 =	simm.s32 @!p0 $0x0  }
0x12: {  	s1 =	sld [smem:$0x3F95];
	s0 =	simm.s32 @p0 $0x1  }
0x13: {  	[smem:$0x3FB0] =	sst s0;
	s0 =	simm.s32 @!p1 $0x0  }
0x14: {  	s2 =	sld [smem:$0x3F94];
	s0 =	simm.s32 @p1 $0x1  }
0x15: {  	[smem:$0x3FB1] =	sst s0;
	s0 =	simm.s32 @!p2 $0x0  }
0x16: {  	s3 =	sld [smem:$0x3FDB];
	s0 =	simm.s32 @p2 $0x1  }
0x17: {  	s4 =	simm.s32 $0x1BF5;
	[smem:$0x3FB3] =	sst s0  }
0x18: {  	s0 =	sld [smem:$0x3F96];
	_ =	swait.ge [sflag:s4], $0x0  }
0x19: {  	s7 =	sld [smem:$0x3F97]  }
0x1a: {  	s8 =	sadd.s32 $0xFFFFE003, lr  }
0x1b: {  	s9 =	sadd.s32 $0xFFFFFEF7, lr;
	s5 =	simm.s32 $0xFFFFFFFF;
	p2 =	slt.u32 s8, $0xFFFFF086  }
0x1c: {  	p1 =	slt.u32 s9, $0xF7A;
	s5 =	simm.s32 @!p2 $0x0  }
0x1d: {  	s5 =	simm.s32 @p1 $0x1;
	p0 =	seq.s32 s7, s2  }
0x1e: {  	s7 =	smul.u32 @!p0 $0xF7A, s2;
	p2 =	seq.s32 @!p0 s5, $0x0  }
0x1f: {  	s9 =	smul.u32 $0xF7A, s1;
	s8 =	simm.s32 @!p0 $0x1BF5;
	p2 =	por !p2, p0  }
0x20: {  	[sflag:s8] =	ssyncset.s32 @!p0 $0xFFFFF086;
	s6 =	sadd.s32 @!p0 s3, s7;
	s7 =	simm.s32 @!p0 $0x108  }
0x21: {  	s3 =	sadd.s32 s3, s9;
	s6 =	sadd.s32 @!p0 $0x88, s6;
	s7 =	simm.s32 @p2 $0x1082  }
0x22: {  	[simem:s7], [sflag:s8] =	dma.local @!p0 [hbm:s6], $0xF7A  }
0x23: {  	s9 =	sor.u32 $0xD0000000, s2;
	s6 =	simm.s32 $0x108;
	_ =	swait.ge @!p0 [sflag:s8], $0x0  }
0x24: {  	s3 =	sadd.s32 $0x88, s3;
	s6 =	simm.s32 @!p1 $0x1082;
	[sflag:s4] =	ssyncset.s32 $0xFFFFF086  }
0x25: {  	[simem:s6], [sflag:s4] =	dma.local [hbm:s3], $0xF7A  }
0x26: {  	[smem:$0x3F97] =	sst s1;
	(tag) =	ssettag s2;
	_ =	strace s9  }
0x27: {  	s1 =	sld [smem:$0x3FA7]  }
0x28: {  	s2 =	sld [smem:$0x3FA8]  }
0x29: {  	s4 =	sld [smem:$0x3FAA]  }
0x2a: {  	p0 =	seq.s32 s5, $0x0;
	s5 =	sld [smem:$0x3FAB]  }
0x2b: {  	s6 =	sld [smem:$0x3FAC]  }
0x2c: {  	s7 =	sld [smem:$0x3FAD]  }
0x2d: {  	s3 =	simm.s32 $0x108;
	s8 =	sld [smem:$0x3FAE]  }
0x2e: {  	s3 =	simm.s32 @!p0 $0x1082;
	s9 =	sld [smem:$0x3FAF]  }
0x2f: {  	lr =	sadd.s32 s0, s3;
	s0 =	sld [smem:$0x3FA6]  }
0x30: {  	s3 =	sld [smem:$0x3FA9]  }
0x31: {  	[smem:$0x3FB2] =	sst s10  }
0x32: {  	s10 =	sld [smem:$0x3FB0];
	_ =	sdelay $0x3  }
0x33: {  	p0 =	seq.s32 s10, $0x1;
	s10 =	sld [smem:$0x3FB2];
	_ =	sdelay $0x3  }
0x34: {  	[smem:$0x3FB2] =	sst s10  }
0x35: {  	s10 =	sld [smem:$0x3FB1];
	_ =	sdelay $0x3  }
0x36: {  	p1 =	seq.s32 s10, $0x1;
	s10 =	sld [smem:$0x3FB2];
	_ =	sdelay $0x3  }
0x37: {  	[smem:$0x3FB2] =	sst s10  }
0x38: {  	s10 =	sld [smem:$0x3FB3]  }
0x39: {  	_ = 	snop;
	(pc) =	sbr.ind lr, $3  }
0x3a: {  	_ = 	snop  }
0x3b: {  	_ = 	snop  }
0x3c: {  	p2 =	seq.s32 s10, $0x1;
	s10 =	sld [smem:$0x3FB2]  }
0x3d: {  	_ =	shalt  }
0x3e: {  	_ =	shalt  }
0x3f: {  	_ =	shalt  }
0x40: {  	_ =	shalt  }
0x41: {  	_ =	shalt  }
0x42: {  	_ =	shalt  }
0x43: {  	_ =	shalt  }
0x44: {  	_ =	shalt  }
0x45: {  	_ =	shalt  }
0x46: {  	_ =	shalt  }
0x47: {  	_ =	shalt  }
0x48: {  	_ =	shalt  }
0x49: {  	_ =	shalt  }
0x4a: {  	_ =	shalt  }
0x4b: {  	_ =	shalt  }
0x4c: {  	_ =	shalt  }
0x4d: {  	_ =	shalt  }
0x4e: {  	_ =	shalt  }
0x4f: {  	_ =	shalt  }
0x50: {  	_ =	shalt  }
0x51: {  	_ =	shalt  }
0x52: {  	_ =	shalt  }
0x53: {  	_ =	shalt  }
0x54: {  	_ =	shalt  }
0x55: {  	_ =	shalt  }
0x56: {  	_ =	shalt  }
0x57: {  	_ =	shalt  }
0x58: {  	_ =	shalt  }
0x59: {  	_ =	shalt  }
0x5a: {  	_ =	shalt  }
0x5b: {  	_ =	shalt  }
0x5c: {  	_ =	shalt  }
0x5d: {  	_ =	shalt  }
0x5e: {  	_ =	shalt  }
0x5f: {  	_ =	shalt  }
0x60: {  	_ =	shalt  }
0x61: {  	_ =	shalt  }
0x62: {  	_ =	shalt  }
0x63: {  	_ =	shalt  }
0x64: {  	_ =	shalt  }
0x65: {  	_ =	shalt  }
0x66: {  	_ =	shalt  }
0x67: {  	_ =	shalt  }
0x68: {  	_ =	shalt  }
0x69: {  	_ =	shalt  }
0x6a: {  	_ =	shalt  }
0x6b: {  	_ =	shalt  }
0x6c: {  	_ =	shalt  }
0x6d: {  	_ =	shalt  }
0x6e: {  	_ =	shalt  }
0x6f: {  	_ =	shalt  }
0x70: {  	_ =	shalt  }
0x71: {  	_ =	shalt  }
0x72: {  	_ =	shalt  }
0x73: {  	_ =	shalt  }
0x74: {  	_ =	shalt  }
0x75: {  	_ =	shalt  }
0x76: {  	_ =	shalt  }
0x77: {  	_ =	shalt  }
0x78: {  	_ =	shalt  }
0x79: {  	_ =	shalt  }
0x7a: {  	_ =	shalt  }
0x7b: {  	_ =	shalt  }
0x7c: {  	_ =	shalt  }
0x7d: {  	_ =	shalt  }
0x7e: {  	_ =	shalt  }
0x7f: {  	_ =	shalt  }
0x80: {  	_ =	shalt  }
0x81: {  	_ =	shalt  }
0x82: {  	_ =	shalt  }
0x83: {  	_ =	shalt  }
0x84: {  	_ =	shalt  }
0x85: {  	_ =	shalt  }
0x86: {  	_ =	shalt  }
0x87: {  	_ =	shalt  }
.Lfunc_end0:
.L_simem_size_0:
called_computation_lowered:
.L_overlay_start_0:
0x88: {  	s2 =	sld [smem:$0x3FD9]  }
0x89: {  	s3 =	sld [smem:$0x3FFE];
	_ =	sdelay $0x1  }
0x8a: {  	s1 =	srdreg.scid  }
0x8b: {  	s0 =	sand.u32 $0x1, s1  }
0x8c: {  	s17 =	sshll.u32 s0, $0xA;
	s2 =	sadd.s32 s3, s2  }
0x8d: {  	s2 =	sadd.s32 s2, s17  }
0x8e: {  	[smem:$0x3FBE] =	sst s2  }
0x8f: {  	_ = 	snop  }
0x90: {  	s2 =	sld [smem:$0x3FD0];
	(tm) =	ssettm $0x1  }
0x91: {  	s18 =	sld [smem:$0x3FFB];
	_ =	sdelay $0x3  }
0x92: {  	_ =	strace s18  }
0x93: {  	s3 =	sld [smem:$0x3FFC];
	_ =	sdelay $0x3  }
0x94: {  	_ =	strace s3  }
0x95: {  	s3 =	sld [smem:$0x3FFD];
	_ =	sdelay $0x3  }
0x96: {  	_ =	strace s3  }
0x97: {  	_ =	strace $0x8FFFFFFF  }
0x98: {  	s19 =	sld [smem:$0x3FDB];
	_ =	sdelay $0x1  }
0x99: {  	s4 =	simm.s32 $_scs_section_size  }
0x9a: {  	s5 =	simm.s32 $_size__tile_overlayer_lowered;
	s6 =	simm.s32 $_tile_overlayer_lowered  }
0x9b: {  	s22 =	simm.s32 $0x1BFF;
	s21 =	sshll.u32 s6, $0x1;
	s3 =	sadd.s32 s4, s19  }
0x9c: {  	s7 =	simm.s32 $0x0;
	s20 =	sshll.u32 s5, $0x1;
	s5 =	sadd.s32 s21, s3  }
0x9d: {  	[timem:s7], [sflag:s22] =	dma.local [hbm:s5], s20  }
0x9e: {  	_ =	swait.ge [sflag:s22], s20  }
0x9f: {  	s4 =	ssub.s32 $0x0, s20;
	[sflag:s22] =	ssyncset.done $0x0  }
0xa0: {  	[sflag:s22] =	ssyncadd.s32 s4;
	_ =	sdelay $0x1  }
0xa1: {  	s23 =	simm.s32 $0x1B8B  }
0xa2: {  	_ =	swait.ge [sflag:s23], $0x1  }
0xa3: {  	[sflag:s23] =	ssyncset.done $0x0  }
0xa4: {  	s25 =	simm.s32 $0x1B8E;
	s24 =	sld [smem:$0x3FFE];
	[sflag:s23] =	ssyncadd.s32 $0xFFFFFFFF  }
0xa5: {  	s26 =	simm.s32 $execute0_lowered;
	[smem:$0x3FD2] =	sst s25  }
0xa6: {  	s5 =	sshll.u32 s26, $0x1;
	_ =	strace $0x80000046;
	[dreg:$0x1] =	wrdreg $0xFFFFFFFF  }
0xa7: {  	s28 =	simm.s32 $_size_execute0_lowered;
	s3 =	sadd.s32 s3, s5;
	[dreg:$0x0] =	wrdreg $0x0  }
0xa8: {  	s5 =	sshll.u32 s28, $0x1;
	[dreg:$0x2] =	wrdreg s3  }
0xa9: {  	[dreg:$0x3] =	wrdreg s5  }
0xaa: {  	[dreg:$0x4] =	wrdreg $0xC0  }
0xab: {  	_ =	task [dreg:s7], $0x5FFFF  }
0xac: {  	[dreg:$0x1] =	wrdreg $0xFFFFFFFF  }
0xad: {  	[dreg:$0x0] =	wrdreg $0x60  }
0xae: {  	[dreg:$0x2] =	wrdreg s24  }
0xaf: {  	[dreg:$0x3] =	wrdreg s2  }
0xb0: {  	[dreg:$0x4] =	wrdreg $0x90000  }
0xb1: {  	[dreg:$0x5] =	wrdreg $0x9  }
0xb2: {  	_ =	task.clear_ibuf [dreg:s7], $0x6FFFF;
	_ =	strace $0x90000046  }
0xb3: {  	s29 =	simm.s32 $0x9;
	_ =	strace $0x80000048  }
0xb4: {  	_ =	swait.ge [sflag:s29], $0x1  }
0xb5: {  	[sflag:s29] =	ssyncadd.s32 $0xFFFFFFFF  }
0xb6: {  	_ =	strace $0x90000048  }
0xb7: {  	_ =	sfence  }
0xb8: {  	s30 =	sld [smem:$0x0];
	_ =	sdelay $0x2  }
0xb9: {  	s31 =	sshll.u32 s1, $0xD;
	s1 =	sshrl.u32 s1, $0x2  }
0xba: {  	s3 =	sand.u32 $0x4000, s31;
	s1 =	sadd.s32 s1, s30  }
0xbb: {  	s0 =	sor.u32 s3, s0;
	s1 =	sshll.u32 s1, $0x11  }
0xbc: {  	s0 =	sor.u32 s1, s0  }
0xbd: {  	s0 =	sadd.s32 $0x8F2B, s0  }
0xbe: {  	[sflag:s0] =	ssyncadd.remote.s32 $0x1  }
0xbf: {  	_ =	sfence.sel $0xFFFF  }
0xc0: {  	[dreg:$0x0] =	wrdreg $0xFFFFFFFF;
	(pc) =	sbr.abs _section_cstart, $3  }
0xc1: {  	[dreg:$0x1] =	wrdreg $0xFFFFFFFF  }
0xc2: {  	_ =	task.clear_ibuf [dreg:s7], $0x2FFFF;
	_ =	strace $0x9FFFFFFF  }
0xc3: {  	(tm) =	ssettm $0x7FFFFFFF  }
tec
execute0_lowered:
.L_overlay_start_1:
0x0: {  	(tag) =	ssettag $0x1  }
0x1: {  	s6 =	rddreg [dreg:$0x0]  }
0x2: {  	s1 =	srdreg.scid;
	s7 =	rddreg [dreg:$0x1]  }
0x3: {  	s0 =	stileid.u32;
	s2 =	rddreg [dreg:$0x2]  }
0x4: {  	s3 =	simm.s32 $0x0;
	s15 =	simm.s32 $0x80;
	s16 =	simm.s32 $0x0  }
0x5: {  	s5 =	sand.u32 $0x1, s1;
	s28 =	sshll.u32 s0, $0x1;
	s9 =	smul.u32 $0x2800, s0  }
0x6: {  	[smem:$0x7FF] =	sst s3;
	s4 =	sadd.s32 $0xE400, s6;
	s12 =	smul.u32 $0x50000, s0  }
0x7: {  	s13 =	sshll.u32 s0, $0x6;
	s1 =	sor.u32 s5, s28;
	s10 =	smul.u32 $0x28000, s5  }
0x8: {  	s29 =	ssub.s32 $0x2, s5;
	s5 =	sadd.s32 $0xEC00, s6;
	s13 =	sor.u32 $0x1C01, s13  }
0x9: {  	s8 =	smul.u32 $0x500, s1;
	s1 =	rddreg [dreg:$0x3];
	_ =	strace $0x80000047  }
0xa: {  	s30 =	sshrl.u32 s29, $0x1;
	s31 =	sshrl.u32 s12, $0x2;
	s12 =	simm.s32 $0x5000  }
0xb: {  	s9 =	sadd.s32 s9, s10;
	s10 =	ssub.s32 s29, s30;
	s14 =	sadd.s32 s31, s2  }
0xc: {  	s11 =	sadd.s32 s8, s6;
	s9 =	sadd.s32 s9, s6;
	s6 =	sadd.s32 s7, s8  }
0xd: {  	s14 =	sshrl.u32 s14, $0x3;
	s7 =	sadd.s32 $0x4400, s11;
	s8 =	sadd.s32 $0x11400, s9  }
0xe: {  	s9 =	smax.u32 s10, $0x1;
	s10 =	simm.s32 $0x1;
	s11 =	simm.s32 $0x2800  }
.LBB2_1:
0xf: {  	[tilespmem:s3], [sflag:$0x1] =	stream.linear.gather [hbm4b:s6+s3], $0x2780, $0x38;
	[tilespmem:$0x1D000] =	vst v63  }
0x10: {  	_ =	swait.ge [sflag:s10], $0x2780  }
0x11: {  	[sflag:s10] =	ssyncset.done $0x0  }
0x12: {  	[sflag:s10] =	ssyncadd.s32 $0xFFFFD880  }
0x13: {  	[tilespmem:s11], [sflag:$0x1] =	stream.linear.gather [hbm4b:s7+s3], $0x2780, $0x38;
	[tilespmem:$0x1D000] =	vst v63  }
0x14: {  	_ =	swait.ge [sflag:s10], $0x2780  }
0x15: {  	[sflag:s10] =	ssyncset.done $0x0  }
0x16: {  	[sflag:s10] =	ssyncadd.s32 $0xFFFFD880  }
0x17: {  	[tilespmem:s12], [sflag:$0x1] =	stream.linear.gather [hbm4b:s4+s3], $0x4000, $0x38;
	[tilespmem:$0x1D000] =	vst v63  }
0x18: {  	_ =	swait.ge [sflag:s10], $0x4000  }
0x19: {  	[sflag:s10] =	ssyncset.done $0x0  }
0x1a: {  	[sflag:s10] =	ssyncadd.s32 $0xFFFFC000  }
0x1b: {  	[spmem:s14], [sflag:s13] =	dma.local [hbm:s5], $0x2800  }
0x1c: {  	_ =	swait.ge [sflag:s10], $0x2800  }
0x1d: {  	[sflag:s10] =	ssyncset.done $0x0  }
0x1e: {  	[sflag:s10] =	ssyncadd.s32 $0xFFFFD800  }
0x1f: {  	s17 =	simm.s32 $0x2800;
	[bflag:$0x0] =	sbarrier.arrive $0xFFFF  }
0x20: {  	[spmem:s2] =	stream.indirect.scatter.add.f32 [tilespmem:s12], [sflag:$0x1], $0x80, s17, s15, $0xb8;
	[tilespmem:$0x1D000] =	vst v63  }
0x21: {  	s17 =	simm.s32 $0x200;
	_ =	swait.ge [sflag:s10], $0x4000  }
.LBB2_2:
0x22: {  	s18 =	sshra.s32 s17, $0x2;
	[sflag:s10] =	ssyncset.done $0x0;
	p0 =	sne.s32 s17, $0x9C00  }
.Ltmp0:
0x23: {  	s18 =	sadd.s32 $0x2800, s18;
	[sflag:s10] =	ssyncadd.s32 $0xFFFFC000;
	(pc) =	sbr.rel @p0 .LBB2_2-.Ltmp0, $3  }
0x24: {  	[spmem:s2] =	stream.indirect.scatter.add.f32 [tilespmem:s12], [sflag:$0x1], $0x80, s18, s15, $0xb8;
	[tilespmem:$0x1D000] =	vst v63  }
0x25: {  	s17 =	sadd.s32 $0x200, s17;
	_ =	sdelay $0x1  }
0x26: {  	_ =	swait.ge [sflag:s10], $0x4000  }
0x27: {  	[sflag:s10] =	ssyncset.done $0x0;
	s16 =	sadd.s32 $0x1, s16  }
0x28: {  	[sflag:s10] =	ssyncadd.s32 $0xFFFFC000;
	p0 =	sne.s32 s16, s9  }
.Ltmp1:
0x29: {  	[bflag:$0x0] =	sbarrier.arrive $0xFFFF;
	(pc) =	sbr.rel @p0 .LBB2_1-.Ltmp1, $4  }
0x2a: {  	[hbm:s8], [sflag:s13] =	dma.local [spmem:s14], $0x2800  }
0x2b: {  	_ =	swait.ge [sflag:s10], $0x2800  }
0x2c: {  	[sflag:s10] =	ssyncset.done $0x0  }
0x2d: {  	[sflag:s10] =	ssyncadd.s32 $0xFFFFD800  }
0x2e: {  	_ =	sfence.sel $0x180000  }
0x2f: {  	[bflag:$0x0] =	sbarrier.arrive $0xFFFF  }
0x30: {  	p0 =	sne.s32 s0, $0x0;
	_ =	strace $0x90000047  }
0x31: {  	s0 =	sadd.s32 @!p0 $0x100000, s1;
	[bflag:$0x2] =	sbarrier.arrive $0xFFFF  }
0x32: {  	[sflag:s0] =	ssyncadd.tile.s32 @!p0 $0x1;
	_ =	shalt  }
.Lfunc_end2:
_tile_overlayer_lowered:
.L_overlay_start_2:
0x33: {  	(tag) =	ssettag $0x2  }
0x34: {  	s0 =	rddreg [dreg:$0x0];
	s2 =	stileid.u32  }
0x35: {  	s1 =	rddreg [dreg:$0x1];
	p0 =	sne.s32 s2, $0x0  }
0x36: {  	s3 =	rddreg [dreg:$0x2];
	[bflag:$0x3] =	sbarrier.arrive $0xFFFF;
	s2 =	simm.s32 @!p0 $0x1C01  }
0x37: {  	[timem:s3], [sflag:s2] =	dma.local @!p0 [hbm:s0], s1  }
0x38: {  	s0 =	simm.s32 @!p0 $0x1  }
0x39: {  	_ =	swait.ge @!p0 [sflag:s0], s1  }
0x3a: {  	s1 =	ssub.s32 @!p0 $0x0, s1;
	[sflag:s0] =	ssyncset.done @!p0 $0x0  }
0x3b: {  	[sflag:s0] =	ssyncadd.s32 @!p0 s1  }
0x3c: {  	[bflag:$0x3] =	sbarrier.arrive $0xFFFF  }
0x3d: {  	_ =	shalt  }

// kernel: kernel.13.cloned.1.call-start
scs
__scs_entry_jumppad:
0x0: {  	(pc) =	sbr.rel $0x88, $3  }
0x1: {  	(tag) =	ssettag $0x0;
	lr =	simm.s32 $0x1  }
0x2: {  	[smem:$0x3F97] =	sst lr;
	_ =	strace $0xD0000000  }
0x3: {  	_ = 	snop  }
0x4: {  	_ = 	snop  }
0x5: {  	_ = 	snop  }
0x6: {  	_ = 	snop  }
0x7: {  	_ = 	snop  }
__scs_overlays_trampoline_lowered:
0x8: {  	[smem:$0x3FA6] =	sst s0  }
0x9: {  	[smem:$0x3FA7] =	sst s1  }
0xa: {  	[smem:$0x3FA8] =	sst s2  }
0xb: {  	[smem:$0x3FA9] =	sst s3  }
0xc: {  	[smem:$0x3FAA] =	sst s4  }
0xd: {  	[smem:$0x3FAB] =	sst s5  }
0xe: {  	[smem:$0x3FAC] =	sst s6  }
0xf: {  	[smem:$0x3FAD] =	sst s7  }
0x10: {  	[smem:$0x3FAE] =	sst s8  }
0x11: {  	[smem:$0x3FAF] =	sst s9;
	s0 =	simm.s32 @!p0 $0x0  }
0x12: {  	s1 =	sld [smem:$0x3F95];
	s0 =	simm.s32 @p0 $0x1  }
0x13: {  	[smem:$0x3FB0] =	sst s0;
	s0 =	simm.s32 @!p1 $0x0  }
0x14: {  	s2 =	sld [smem:$0x3F94];
	s0 =	simm.s32 @p1 $0x1  }
0x15: {  	[smem:$0x3FB1] =	sst s0;
	s0 =	simm.s32 @!p2 $0x0  }
0x16: {  	s3 =	sld [smem:$0x3FDB];
	s0 =	simm.s32 @p2 $0x1  }
0x17: {  	s4 =	simm.s32 $0x1BF5;
	[smem:$0x3FB3] =	sst s0  }
0x18: {  	s0 =	sld [smem:$0x3F96];
	_ =	swait.ge [sflag:s4], $0x0  }
0x19: {  	s7 =	sld [smem:$0x3F97]  }
0x1a: {  	s8 =	sadd.s32 $0xFFFFE003, lr  }
0x1b: {  	s9 =	sadd.s32 $0xFFFFFEF7, lr;
	s5 =	simm.s32 $0xFFFFFFFF;
	p2 =	slt.u32 s8, $0xFFFFF086  }
0x1c: {  	p1 =	slt.u32 s9, $0xF7A;
	s5 =	simm.s32 @!p2 $0x0  }
0x1d: {  	s5 =	simm.s32 @p1 $0x1;
	p0 =	seq.s32 s7, s2  }
0x1e: {  	s7 =	smul.u32 @!p0 $0xF7A, s2;
	p2 =	seq.s32 @!p0 s5, $0x0  }
0x1f: {  	s9 =	smul.u32 $0xF7A, s1;
	s8 =	simm.s32 @!p0 $0x1BF5;
	p2 =	por !p2, p0  }
0x20: {  	[sflag:s8] =	ssyncset.s32 @!p0 $0xFFFFF086;
	s6 =	sadd.s32 @!p0 s3, s7;
	s7 =	simm.s32 @!p0 $0x108  }
0x21: {  	s3 =	sadd.s32 s3, s9;
	s6 =	sadd.s32 @!p0 $0x88, s6;
	s7 =	simm.s32 @p2 $0x1082  }
0x22: {  	[simem:s7], [sflag:s8] =	dma.local @!p0 [hbm:s6], $0xF7A  }
0x23: {  	s9 =	sor.u32 $0xD0000000, s2;
	s6 =	simm.s32 $0x108;
	_ =	swait.ge @!p0 [sflag:s8], $0x0  }
0x24: {  	s3 =	sadd.s32 $0x88, s3;
	s6 =	simm.s32 @!p1 $0x1082;
	[sflag:s4] =	ssyncset.s32 $0xFFFFF086  }
0x25: {  	[simem:s6], [sflag:s4] =	dma.local [hbm:s3], $0xF7A  }
0x26: {  	[smem:$0x3F97] =	sst s1;
	(tag) =	ssettag s2;
	_ =	strace s9  }
0x27: {  	s1 =	sld [smem:$0x3FA7]  }
0x28: {  	s2 =	sld [smem:$0x3FA8]  }
0x29: {  	s4 =	sld [smem:$0x3FAA]  }
0x2a: {  	p0 =	seq.s32 s5, $0x0;
	s5 =	sld [smem:$0x3FAB]  }
0x2b: {  	s6 =	sld [smem:$0x3FAC]  }
0x2c: {  	s7 =	sld [smem:$0x3FAD]  }
0x2d: {  	s3 =	simm.s32 $0x108;
	s8 =	sld [smem:$0x3FAE]  }
0x2e: {  	s3 =	simm.s32 @!p0 $0x1082;
	s9 =	sld [smem:$0x3FAF]  }
0x2f: {  	lr =	sadd.s32 s0, s3;
	s0 =	sld [smem:$0x3FA6]  }
0x30: {  	s3 =	sld [smem:$0x3FA9]  }
0x31: {  	[smem:$0x3FB2] =	sst s10  }
0x32: {  	s10 =	sld [smem:$0x3FB0];
	_ =	sdelay $0x3  }
0x33: {  	p0 =	seq.s32 s10, $0x1;
	s10 =	sld [smem:$0x3FB2];
	_ =	sdelay $0x3  }
0x34: {  	[smem:$0x3FB2] =	sst s10  }
0x35: {  	s10 =	sld [smem:$0x3FB1];
	_ =	sdelay $0x3  }
0x36: {  	p1 =	seq.s32 s10, $0x1;
	s10 =	sld [smem:$0x3FB2];
	_ =	sdelay $0x3  }
0x37: {  	[smem:$0x3FB2] =	sst s10  }
0x38: {  	s10 =	sld [smem:$0x3FB3]  }
0x39: {  	_ = 	snop;
	(pc) =	sbr.ind lr, $3  }
0x3a: {  	_ = 	snop  }
0x3b: {  	_ = 	snop  }
0x3c: {  	p2 =	seq.s32 s10, $0x1;
	s10 =	sld [smem:$0x3FB2]  }
0x3d: {  	_ =	shalt  }
0x3e: {  	_ =	shalt  }
0x3f: {  	_ =	shalt  }
0x40: {  	_ =	shalt  }
0x41: {  	_ =	shalt  }
0x42: {  	_ =	shalt  }
0x43: {  	_ =	shalt  }
0x44: {  	_ =	shalt  }
0x45: {  	_ =	shalt  }
0x46: {  	_ =	shalt  }
0x47: {  	_ =	shalt  }
0x48: {  	_ =	shalt  }
0x49: {  	_ =	shalt  }
0x4a: {  	_ =	shalt  }
0x4b: {  	_ =	shalt  }
0x4c: {  	_ =	shalt  }
0x4d: {  	_ =	shalt  }
0x4e: {  	_ =	shalt  }
0x4f: {  	_ =	shalt  }
0x50: {  	_ =	shalt  }
0x51: {  	_ =	shalt  }
0x52: {  	_ =	shalt  }
0x53: {  	_ =	shalt  }
0x54: {  	_ =	shalt  }
0x55: {  	_ =	shalt  }
0x56: {  	_ =	shalt  }
0x57: {  	_ =	shalt  }
0x58: {  	_ =	shalt  }
0x59: {  	_ =	shalt  }
0x5a: {  	_ =	shalt  }
0x5b: {  	_ =	shalt  }
0x5c: {  	_ =	shalt  }
0x5d: {  	_ =	shalt  }
0x5e: {  	_ =	shalt  }
0x5f: {  	_ =	shalt  }
0x60: {  	_ =	shalt  }
0x61: {  	_ =	shalt  }
0x62: {  	_ =	shalt  }
0x63: {  	_ =	shalt  }
0x64: {  	_ =	shalt  }
0x65: {  	_ =	shalt  }
0x66: {  	_ =	shalt  }
0x67: {  	_ =	shalt  }
0x68: {  	_ =	shalt  }
0x69: {  	_ =	shalt  }
0x6a: {  	_ =	shalt  }
0x6b: {  	_ =	shalt  }
0x6c: {  	_ =	shalt  }
0x6d: {  	_ =	shalt  }
0x6e: {  	_ =	shalt  }
0x6f: {  	_ =	shalt  }
0x70: {  	_ =	shalt  }
0x71: {  	_ =	shalt  }
0x72: {  	_ =	shalt  }
0x73: {  	_ =	shalt  }
0x74: {  	_ =	shalt  }
0x75: {  	_ =	shalt  }
0x76: {  	_ =	shalt  }
0x77: {  	_ =	shalt  }
0x78: {  	_ =	shalt  }
0x79: {  	_ =	shalt  }
0x7a: {  	_ =	shalt  }
0x7b: {  	_ =	shalt  }
0x7c: {  	_ =	shalt  }
0x7d: {  	_ =	shalt  }
0x7e: {  	_ =	shalt  }
0x7f: {  	_ =	shalt  }
0x80: {  	_ =	shalt  }
0x81: {  	_ =	shalt  }
0x82: {  	_ =	shalt  }
0x83: {  	_ =	shalt  }
0x84: {  	_ =	shalt  }
0x85: {  	_ =	shalt  }
0x86: {  	_ =	shalt  }
0x87: {  	_ =	shalt  }
.Lfunc_end0:
.L_simem_size_0:
called_computation.1_lowered:
.L_overlay_start_0:
0x88: {  	s2 =	sld [smem:$0x3FD9]  }
0x89: {  	s3 =	sld [smem:$0x3FFE];
	_ =	sdelay $0x1  }
0x8a: {  	s1 =	srdreg.scid  }
0x8b: {  	s0 =	sand.u32 $0x1, s1  }
0x8c: {  	s17 =	sshll.u32 s0, $0xA;
	s2 =	sadd.s32 s3, s2  }
0x8d: {  	s2 =	sadd.s32 s2, s17  }
0x8e: {  	[smem:$0x3FBE] =	sst s2  }
0x8f: {  	_ = 	snop  }
0x90: {  	s2 =	sld [smem:$0x3FD0];
	(tm) =	ssettm $0x1  }
0x91: {  	s18 =	sld [smem:$0x3FFB];
	_ =	sdelay $0x3  }
0x92: {  	_ =	strace s18  }
0x93: {  	s3 =	sld [smem:$0x3FFC];
	_ =	sdelay $0x3  }
0x94: {  	_ =	strace s3  }
0x95: {  	s3 =	sld [smem:$0x3FFD];
	_ =	sdelay $0x3  }
0x96: {  	_ =	strace s3  }
0x97: {  	_ =	strace $0x8FFFFFFF  }
0x98: {  	s19 =	sld [smem:$0x3FDB];
	_ =	sdelay $0x1  }
0x99: {  	s4 =	simm.s32 $_scs_section_size  }
0x9a: {  	s5 =	simm.s32 $_size__tile_overlayer_lowered;
	s6 =	simm.s32 $_tile_overlayer_lowered  }
0x9b: {  	s22 =	simm.s32 $0x1BFF;
	s21 =	sshll.u32 s6, $0x1;
	s3 =	sadd.s32 s4, s19  }
0x9c: {  	s7 =	simm.s32 $0x0;
	s20 =	sshll.u32 s5, $0x1;
	s5 =	sadd.s32 s21, s3  }
0x9d: {  	[timem:s7], [sflag:s22] =	dma.local [hbm:s5], s20  }
0x9e: {  	_ =	swait.ge [sflag:s22], s20  }
0x9f: {  	s4 =	ssub.s32 $0x0, s20;
	[sflag:s22] =	ssyncset.done $0x0  }
0xa0: {  	[sflag:s22] =	ssyncadd.s32 s4;
	_ =	sdelay $0x1  }
0xa1: {  	s23 =	simm.s32 $0x1B8B  }
0xa2: {  	_ =	swait.ge [sflag:s23], $0x1  }
0xa3: {  	[sflag:s23] =	ssyncset.done $0x0  }
0xa4: {  	s25 =	simm.s32 $0x1B8E;
	s24 =	sld [smem:$0x3FFE];
	[sflag:s23] =	ssyncadd.s32 $0xFFFFFFFF  }
0xa5: {  	s26 =	simm.s32 $execute0_lowered;
	[smem:$0x3FD2] =	sst s25  }
0xa6: {  	s5 =	sshll.u32 s26, $0x1;
	_ =	strace $0x80000049;
	[dreg:$0x1] =	wrdreg $0xFFFFFFFF  }
0xa7: {  	s28 =	simm.s32 $_size_execute0_lowered;
	s3 =	sadd.s32 s3, s5;
	[dreg:$0x0] =	wrdreg $0x0  }
0xa8: {  	s5 =	sshll.u32 s28, $0x1;
	[dreg:$0x2] =	wrdreg s3  }
0xa9: {  	[dreg:$0x3] =	wrdreg s5  }
0xaa: {  	[dreg:$0x4] =	wrdreg $0xC0  }
0xab: {  	_ =	task [dreg:s7], $0x5FFFF  }
0xac: {  	[dreg:$0x1] =	wrdreg $0xFFFFFFFF  }
0xad: {  	[dreg:$0x0] =	wrdreg $0x60  }
0xae: {  	[dreg:$0x2] =	wrdreg s24  }
0xaf: {  	[dreg:$0x3] =	wrdreg s2  }
0xb0: {  	[dreg:$0x4] =	wrdreg $0x90000  }
0xb1: {  	[dreg:$0x5] =	wrdreg $0x9  }
0xb2: {  	_ =	task.clear_ibuf [dreg:s7], $0x6FFFF;
	_ =	strace $0x90000049  }
0xb3: {  	s29 =	simm.s32 $0x9;
	_ =	strace $0x8000004B  }
0xb4: {  	_ =	swait.ge [sflag:s29], $0x1  }
0xb5: {  	[sflag:s29] =	ssyncadd.s32 $0xFFFFFFFF  }
0xb6: {  	_ =	strace $0x9000004B  }
0xb7: {  	_ =	sfence  }
0xb8: {  	s30 =	sld [smem:$0x0];
	_ =	sdelay $0x2  }
0xb9: {  	s31 =	sshll.u32 s1, $0xD;
	s1 =	sshrl.u32 s1, $0x2  }
0xba: {  	s3 =	sand.u32 $0x4000, s31;
	s1 =	sadd.s32 s1, s30  }
0xbb: {  	s0 =	sor.u32 s3, s0;
	s1 =	sshll.u32 s1, $0x11  }
0xbc: {  	s0 =	sor.u32 s1, s0  }
0xbd: {  	s0 =	sadd.s32 $0x8F2B, s0  }
0xbe: {  	[sflag:s0] =	ssyncadd.remote.s32 $0x1  }
0xbf: {  	_ =	sfence.sel $0xFFFF  }
0xc0: {  	[dreg:$0x0] =	wrdreg $0xFFFFFFFF;
	(pc) =	sbr.abs _section_cstart, $3  }
0xc1: {  	[dreg:$0x1] =	wrdreg $0xFFFFFFFF  }
0xc2: {  	_ =	task.clear_ibuf [dreg:s7], $0x2FFFF;
	_ =	strace $0x9FFFFFFF  }
0xc3: {  	(tm) =	ssettm $0x7FFFFFFF  }
tec
execute0_lowered:
.L_overlay_start_1:
0x0: {  	(tag) =	ssettag $0x1  }
0x1: {  	s6 =	rddreg [dreg:$0x0]  }
0x2: {  	s1 =	srdreg.scid;
	s7 =	rddreg [dreg:$0x1]  }
0x3: {  	s0 =	stileid.u32;
	s2 =	rddreg [dreg:$0x2];
	s3 =	simm.s32 $0x0  }
0x4: {  	s14 =	simm.s32 $0x80;
	s15 =	simm.s32 $0x5000;
	s16 =	simm.s32 $0x1  }
0x5: {  	s17 =	simm.s32 $0x0;
	s5 =	sand.u32 $0x1, s1;
	s1 =	rddreg [dreg:$0x3]  }
0x6: {  	s28 =	sshll.u32 s0, $0x1;
	[smem:$0x7FF] =	sst s3;
	s9 =	smul.u32 $0x2800, s0  }
0x7: {  	s13 =	smul.u32 $0x50000, s0;
	s31 =	sshll.u32 s0, $0x6;
	s4 =	sor.u32 s5, s28  }
0x8: {  	_ =	strace $0x8000004A;
	s10 =	smul.u32 $0x28000, s5;
	s12 =	ssub.s32 $0x2, s5  }
0x9: {  	s5 =	sadd.s32 $0xEC00, s6;
	s8 =	smul.u32 $0x500, s4;
	s4 =	sadd.s32 $0x11400, s6  }
0xa: {  	s29 =	sshrl.u32 s12, $0x1;
	s30 =	sshrl.u32 s13, $0x2;
	s9 =	sadd.s32 s9, s10  }
0xb: {  	s10 =	ssub.s32 s12, s29;
	s13 =	sadd.s32 s30, s2;
	s12 =	sor.u32 $0x1C02, s31  }
0xc: {  	s11 =	sadd.s32 s8, s6;
	s9 =	sadd.s32 s9, s6;
	s6 =	sadd.s32 s7, s8  }
0xd: {  	s13 =	sshrl.u32 s13, $0x3;
	s7 =	sadd.s32 $0x4400, s11;
	s8 =	sadd.s32 $0x61400, s9  }
0xe: {  	s9 =	smax.u32 s10, $0x1;
	s10 =	simm.s32 $0x2;
	s11 =	simm.s32 $0x2800  }
.LBB2_1:
0xf: {  	[tilespmem:s3], [sflag:$0x2] =	stream.linear.gather [hbm4b:s6+s3], $0x2780, $0x38;
	[tilespmem:$0x1D000] =	vst v63  }
0x10: {  	_ =	swait.ge [sflag:s10], $0x2780  }
0x11: {  	[sflag:s10] =	ssyncset.done $0x0  }
0x12: {  	[sflag:s10] =	ssyncadd.s32 $0xFFFFD880  }
0x13: {  	[tilespmem:s11], [sflag:$0x2] =	stream.linear.gather [hbm4b:s7+s3], $0x2780, $0x38;
	[tilespmem:$0x1D000] =	vst v63  }
0x14: {  	_ =	swait.ge [sflag:s10], $0x2780  }
0x15: {  	[sflag:s10] =	ssyncset.done $0x0  }
0x16: {  	[sflag:s10] =	ssyncadd.s32 $0xFFFFD880  }
0x17: {  	[spmem:s13], [sflag:s12] =	dma.local [hbm:s5], $0x2800  }
0x18: {  	_ =	swait.ge [sflag:s10], $0x2800  }
0x19: {  	[sflag:s10] =	ssyncset.done $0x0  }
0x1a: {  	[sflag:s10] =	ssyncadd.s32 $0xFFFFD800  }
0x1b: {  	s18 =	simm.s32 $0x0;
	[bflag:$0x0] =	sbarrier.arrive $0xFFFF  }
0x1c: {  	[tilespmem:s15], [sflag:$0x1] =	stream.indirect.gather [hbm4b:s4+s14], $0x80, s18, s14, $0xb8;
	[tilespmem:$0x1D000] =	vst v63  }
0x1d: {  	_ =	swait.ge [sflag:s16], $0x4000  }
0x1e: {  	[sflag:s16] =	ssyncset.done $0x0  }
0x1f: {  	s31 =	simm.s32 $0x2800;
	[sflag:s16] =	ssyncadd.s32 $0xFFFFC000  }
0x20: {  	[spmem:s2] =	stream.indirect.scatter.add.f32 [tilespmem:s15], [sflag:$0x2], $0x80, s31, s14, $0xb8;
	[tilespmem:$0x1D000] =	vst v63  }
0x21: {  	_ =	swait.ge [sflag:s10], $0x4000  }
0x22: {  	s19 =	simm.s32 $0x400;
	s18 =	simm.s32 $0x200;
	[sflag:s10] =	ssyncset.done $0x0  }
.LBB2_2:
0x23: {  	s20 =	sshra.s32 s18, $0x2  }
0x24: {  	[sflag:s10] =	ssyncadd.s32 $0xFFFFC000;
	s18 =	smov.u32 s19;
	s21 =	sadd.s32 $0x200, s19  }
0x25: {  	[tilespmem:s15], [sflag:$0x1] =	stream.indirect.gather [hbm4b:s4+s14], $0x80, s20, s14, $0xb8;
	[tilespmem:$0x1D000] =	vst v63  }
0x26: {  	p0 =	sne.s32 s19, $0x9C00;
	_ =	swait.ge [sflag:s16], $0x4000  }
.Ltmp0:
0x27: {  	[sflag:s16] =	ssyncset.done $0x0;
	(pc) =	sbr.rel @p0 .LBB2_2-.Ltmp0, $4  }
0x28: {  	s19 =	sadd.s32 $0x2800, s20;
	[sflag:s16] =	ssyncadd.s32 $0xFFFFC000  }
0x29: {  	[spmem:s2] =	stream.indirect.scatter.add.f32 [tilespmem:s15], [sflag:$0x2], $0x80, s19, s14, $0xb8;
	[tilespmem:$0x1D000] =	vst v63  }
0x2a: {  	_ =	swait.ge [sflag:s10], $0x4000  }
0x2b: {  	s19 =	smov.u32 s21;
	[sflag:s10] =	ssyncset.done $0x0  }
0x2c: {  	s18 =	sshra.s32 s18, $0x2;
	[sflag:s10] =	ssyncadd.s32 $0xFFFFC000  }
0x2d: {  	[tilespmem:s15], [sflag:$0x1] =	stream.indirect.gather [hbm4b:s4+s14], $0x80, s18, s14, $0xb8;
	[tilespmem:$0x1D000] =	vst v63  }
0x2e: {  	_ =	swait.ge [sflag:s16], $0x4000  }
0x2f: {  	[sflag:s16] =	ssyncset.done $0x0  }
0x30: {  	s18 =	sadd.s32 $0x2800, s18;
	[sflag:s16] =	ssyncadd.s32 $0xFFFFC000  }
0x31: {  	[spmem:s2] =	stream.indirect.scatter.add.f32 [tilespmem:s15], [sflag:$0x2], $0x80, s18, s14, $0xb8;
	[tilespmem:$0x1D000] =	vst v63  }
0x32: {  	_ =	swait.ge [sflag:s10], $0x4000  }
0x33: {  	s17 =	sadd.s32 $0x1, s17;
	[sflag:s10] =	ssyncset.done $0x0  }
0x34: {  	p0 =	sne.s32 s17, s9;
	[sflag:s10] =	ssyncadd.s32 $0xFFFFC000  }
.Ltmp1:
0x35: {  	[bflag:$0x0] =	sbarrier.arrive $0xFFFF;
	(pc) =	sbr.rel @p0 .LBB2_1-.Ltmp1, $4  }
0x36: {  	[hbm:s8], [sflag:s12] =	dma.local [spmem:s13], $0x2800  }
0x37: {  	_ =	swait.ge [sflag:s10], $0x2800  }
0x38: {  	[sflag:s10] =	ssyncset.done $0x0  }
0x39: {  	[sflag:s10] =	ssyncadd.s32 $0xFFFFD800  }
0x3a: {  	_ =	sfence.sel $0x180000  }
0x3b: {  	[bflag:$0x0] =	sbarrier.arrive $0xFFFF  }
0x3c: {  	p0 =	sne.s32 s0, $0x0;
	_ =	strace $0x9000004A  }
0x3d: {  	s0 =	sadd.s32 @!p0 $0x100000, s1;
	[bflag:$0x2] =	sbarrier.arrive $0xFFFF  }
0x3e: {  	[sflag:s0] =	ssyncadd.tile.s32 @!p0 $0x1;
	_ =	shalt  }
.Lfunc_end2:
_tile_overlayer_lowered:
.L_overlay_start_2:
0x3f: {  	(tag) =	ssettag $0x2  }
0x40: {  	s0 =	rddreg [dreg:$0x0];
	s2 =	stileid.u32  }
0x41: {  	s1 =	rddreg [dreg:$0x1];
	p0 =	sne.s32 s2, $0x0  }
0x42: {  	s3 =	rddreg [dreg:$0x2];
	[bflag:$0x3] =	sbarrier.arrive $0xFFFF;
	s2 =	simm.s32 @!p0 $0x1C02  }
0x43: {  	[timem:s3], [sflag:s2] =	dma.local @!p0 [hbm:s0], s1  }
0x44: {  	s0 =	simm.s32 @!p0 $0x2  }
0x45: {  	_ =	swait.ge @!p0 [sflag:s0], s1  }
0x46: {  	s1 =	ssub.s32 @!p0 $0x0, s1;
	[sflag:s0] =	ssyncset.done @!p0 $0x0  }
0x47: {  	[sflag:s0] =	ssyncadd.s32 @!p0 s1  }
0x48: {  	[bflag:$0x3] =	sbarrier.arrive $0xFFFF  }
0x49: {  	_ =	shalt  }

// kernel: kernel.16.cloned.1.call-start
scs
__scs_entry_jumppad:
0x0: {  	(pc) =	sbr.rel $0x88, $3  }
0x1: {  	(tag) =	ssettag $0x0;
	lr =	simm.s32 $0x1  }
0x2: {  	[smem:$0x3F97] =	sst lr;
	_ =	strace $0xD0000000  }
0x3: {  	_ = 	snop  }
0x4: {  	_ = 	snop  }
0x5: {  	_ = 	snop  }
0x6: {  	_ = 	snop  }
0x7: {  	_ = 	snop  }
__scs_overlays_trampoline_lowered:
0x8: {  	[smem:$0x3FA6] =	sst s0  }
0x9: {  	[smem:$0x3FA7] =	sst s1  }
0xa: {  	[smem:$0x3FA8] =	sst s2  }
0xb: {  	[smem:$0x3FA9] =	sst s3  }
0xc: {  	[smem:$0x3FAA] =	sst s4  }
0xd: {  	[smem:$0x3FAB] =	sst s5  }
0xe: {  	[smem:$0x3FAC] =	sst s6  }
0xf: {  	[smem:$0x3FAD] =	sst s7  }
0x10: {  	[smem:$0x3FAE] =	sst s8  }
0x11: {  	[smem:$0x3FAF] =	sst s9;
	s0 =	simm.s32 @!p0 $0x0  }
0x12: {  	s1 =	sld [smem:$0x3F95];
	s0 =	simm.s32 @p0 $0x1  }
0x13: {  	[smem:$0x3FB0] =	sst s0;
	s0 =	simm.s32 @!p1 $0x0  }
0x14: {  	s2 =	sld [smem:$0x3F94];
	s0 =	simm.s32 @p1 $0x1  }
0x15: {  	[smem:$0x3FB1] =	sst s0;
	s0 =	simm.s32 @!p2 $0x0  }
0x16: {  	s3 =	sld [smem:$0x3FDB];
	s0 =	simm.s32 @p2 $0x1  }
0x17: {  	s4 =	simm.s32 $0x1BF5;
	[smem:$0x3FB3] =	sst s0  }
0x18: {  	s0 =	sld [smem:$0x3F96];
	_ =	swait.ge [sflag:s4], $0x0  }
0x19: {  	s7 =	sld [smem:$0x3F97]  }
0x1a: {  	s8 =	sadd.s32 $0xFFFFE003, lr  }
0x1b: {  	s9 =	sadd.s32 $0xFFFFFEF7, lr;
	s5 =	simm.s32 $0xFFFFFFFF;
	p2 =	slt.u32 s8, $0xFFFFF086  }
0x1c: {  	p1 =	slt.u32 s9, $0xF7A;
	s5 =	simm.s32 @!p2 $0x0  }
0x1d: {  	s5 =	simm.s32 @p1 $0x1;
	p0 =	seq.s32 s7, s2  }
0x1e: {  	s7 =	smul.u32 @!p0 $0xF7A, s2;
	p2 =	seq.s32 @!p0 s5, $0x0  }
0x1f: {  	s9 =	smul.u32 $0xF7A, s1;
	s8 =	simm.s32 @!p0 $0x1BF5;
	p2 =	por !p2, p0  }
0x20: {  	[sflag:s8] =	ssyncset.s32 @!p0 $0xFFFFF086;
	s6 =	sadd.s32 @!p0 s3, s7;
	s7 =	simm.s32 @!p0 $0x108  }
0x21: {  	s3 =	sadd.s32 s3, s9;
	s6 =	sadd.s32 @!p0 $0x88, s6;
	s7 =	simm.s32 @p2 $0x1082  }
0x22: {  	[simem:s7], [sflag:s8] =	dma.local @!p0 [hbm:s6], $0xF7A  }
0x23: {  	s9 =	sor.u32 $0xD0000000, s2;
	s6 =	simm.s32 $0x108;
	_ =	swait.ge @!p0 [sflag:s8], $0x0  }
0x24: {  	s3 =	sadd.s32 $0x88, s3;
	s6 =	simm.s32 @!p1 $0x1082;
	[sflag:s4] =	ssyncset.s32 $0xFFFFF086  }
0x25: {  	[simem:s6], [sflag:s4] =	dma.local [hbm:s3], $0xF7A  }
0x26: {  	[smem:$0x3F97] =	sst s1;
	(tag) =	ssettag s2;
	_ =	strace s9  }
0x27: {  	s1 =	sld [smem:$0x3FA7]  }
0x28: {  	s2 =	sld [smem:$0x3FA8]  }
0x29: {  	s4 =	sld [smem:$0x3FAA]  }
0x2a: {  	p0 =	seq.s32 s5, $0x0;
	s5 =	sld [smem:$0x3FAB]  }
0x2b: {  	s6 =	sld [smem:$0x3FAC]  }
0x2c: {  	s7 =	sld [smem:$0x3FAD]  }
0x2d: {  	s3 =	simm.s32 $0x108;
	s8 =	sld [smem:$0x3FAE]  }
0x2e: {  	s3 =	simm.s32 @!p0 $0x1082;
	s9 =	sld [smem:$0x3FAF]  }
0x2f: {  	lr =	sadd.s32 s0, s3;
	s0 =	sld [smem:$0x3FA6]  }
0x30: {  	s3 =	sld [smem:$0x3FA9]  }
0x31: {  	[smem:$0x3FB2] =	sst s10  }
0x32: {  	s10 =	sld [smem:$0x3FB0];
	_ =	sdelay $0x3  }
0x33: {  	p0 =	seq.s32 s10, $0x1;
	s10 =	sld [smem:$0x3FB2];
	_ =	sdelay $0x3  }
0x34: {  	[smem:$0x3FB2] =	sst s10  }
0x35: {  	s10 =	sld [smem:$0x3FB1];
	_ =	sdelay $0x3  }
0x36: {  	p1 =	seq.s32 s10, $0x1;
	s10 =	sld [smem:$0x3FB2];
	_ =	sdelay $0x3  }
0x37: {  	[smem:$0x3FB2] =	sst s10  }
0x38: {  	s10 =	sld [smem:$0x3FB3]  }
0x39: {  	_ = 	snop;
	(pc) =	sbr.ind lr, $3  }
0x3a: {  	_ = 	snop  }
0x3b: {  	_ = 	snop  }
0x3c: {  	p2 =	seq.s32 s10, $0x1;
	s10 =	sld [smem:$0x3FB2]  }
0x3d: {  	_ =	shalt  }
0x3e: {  	_ =	shalt  }
0x3f: {  	_ =	shalt  }
0x40: {  	_ =	shalt  }
0x41: {  	_ =	shalt  }
0x42: {  	_ =	shalt  }
0x43: {  	_ =	shalt  }
0x44: {  	_ =	shalt  }
0x45: {  	_ =	shalt  }
0x46: {  	_ =	shalt  }
0x47: {  	_ =	shalt  }
0x48: {  	_ =	shalt  }
0x49: {  	_ =	shalt  }
0x4a: {  	_ =	shalt  }
0x4b: {  	_ =	shalt  }
0x4c: {  	_ =	shalt  }
0x4d: {  	_ =	shalt  }
0x4e: {  	_ =	shalt  }
0x4f: {  	_ =	shalt  }
0x50: {  	_ =	shalt  }
0x51: {  	_ =	shalt  }
0x52: {  	_ =	shalt  }
0x53: {  	_ =	shalt  }
0x54: {  	_ =	shalt  }
0x55: {  	_ =	shalt  }
0x56: {  	_ =	shalt  }
0x57: {  	_ =	shalt  }
0x58: {  	_ =	shalt  }
0x59: {  	_ =	shalt  }
0x5a: {  	_ =	shalt  }
0x5b: {  	_ =	shalt  }
0x5c: {  	_ =	shalt  }
0x5d: {  	_ =	shalt  }
0x5e: {  	_ =	shalt  }
0x5f: {  	_ =	shalt  }
0x60: {  	_ =	shalt  }
0x61: {  	_ =	shalt  }
0x62: {  	_ =	shalt  }
0x63: {  	_ =	shalt  }
0x64: {  	_ =	shalt  }
0x65: {  	_ =	shalt  }
0x66: {  	_ =	shalt  }
0x67: {  	_ =	shalt  }
0x68: {  	_ =	shalt  }
0x69: {  	_ =	shalt  }
0x6a: {  	_ =	shalt  }
0x6b: {  	_ =	shalt  }
0x6c: {  	_ =	shalt  }
0x6d: {  	_ =	shalt  }
0x6e: {  	_ =	shalt  }
0x6f: {  	_ =	shalt  }
0x70: {  	_ =	shalt  }
0x71: {  	_ =	shalt  }
0x72: {  	_ =	shalt  }
0x73: {  	_ =	shalt  }
0x74: {  	_ =	shalt  }
0x75: {  	_ =	shalt  }
0x76: {  	_ =	shalt  }
0x77: {  	_ =	shalt  }
0x78: {  	_ =	shalt  }
0x79: {  	_ =	shalt  }
0x7a: {  	_ =	shalt  }
0x7b: {  	_ =	shalt  }
0x7c: {  	_ =	shalt  }
0x7d: {  	_ =	shalt  }
0x7e: {  	_ =	shalt  }
0x7f: {  	_ =	shalt  }
0x80: {  	_ =	shalt  }
0x81: {  	_ =	shalt  }
0x82: {  	_ =	shalt  }
0x83: {  	_ =	shalt  }
0x84: {  	_ =	shalt  }
0x85: {  	_ =	shalt  }
0x86: {  	_ =	shalt  }
0x87: {  	_ =	shalt  }
.Lfunc_end0:
.L_simem_size_0:
called_computation.2_lowered:
.L_overlay_start_0:
0x88: {  	s2 =	sld [smem:$0x3FD9]  }
0x89: {  	s3 =	sld [smem:$0x3FFE];
	_ =	sdelay $0x1  }
0x8a: {  	s1 =	srdreg.scid  }
0x8b: {  	s0 =	sand.u32 $0x1, s1  }
0x8c: {  	s17 =	sshll.u32 s0, $0xA;
	s2 =	sadd.s32 s3, s2  }
0x8d: {  	s2 =	sadd.s32 s2, s17  }
0x8e: {  	[smem:$0x3FBE] =	sst s2  }
0x8f: {  	_ = 	snop  }
0x90: {  	s2 =	sld [smem:$0x3FD0];
	(tm) =	ssettm $0x1  }
0x91: {  	s18 =	sld [smem:$0x3FFB];
	_ =	sdelay $0x3  }
0x92: {  	_ =	strace s18  }
0x93: {  	s3 =	sld [smem:$0x3FFC];
	_ =	sdelay $0x3  }
0x94: {  	_ =	strace s3  }
0x95: {  	s3 =	sld [smem:$0x3FFD];
	_ =	sdelay $0x3  }
0x96: {  	_ =	strace s3  }
0x97: {  	_ =	strace $0x8FFFFFFF  }
0x98: {  	s19 =	sld [smem:$0x3FDB];
	_ =	sdelay $0x1  }
0x99: {  	s4 =	simm.s32 $_scs_section_size  }
0x9a: {  	s5 =	simm.s32 $_size__tile_overlayer_lowered;
	s6 =	simm.s32 $_tile_overlayer_lowered  }
0x9b: {  	s22 =	simm.s32 $0x1BFF;
	s21 =	sshll.u32 s6, $0x1;
	s3 =	sadd.s32 s4, s19  }
0x9c: {  	s7 =	simm.s32 $0x0;
	s20 =	sshll.u32 s5, $0x1;
	s5 =	sadd.s32 s21, s3  }
0x9d: {  	[timem:s7], [sflag:s22] =	dma.local [hbm:s5], s20  }
0x9e: {  	_ =	swait.ge [sflag:s22], s20  }
0x9f: {  	s4 =	ssub.s32 $0x0, s20;
	[sflag:s22] =	ssyncset.done $0x0  }
0xa0: {  	[sflag:s22] =	ssyncadd.s32 s4;
	_ =	sdelay $0x1  }
0xa1: {  	s23 =	simm.s32 $0x1B8B  }
0xa2: {  	_ =	swait.ge [sflag:s23], $0x1  }
0xa3: {  	[sflag:s23] =	ssyncset.done $0x0  }
0xa4: {  	s25 =	simm.s32 $0x1B8E;
	s24 =	sld [smem:$0x3FFE];
	[sflag:s23] =	ssyncadd.s32 $0xFFFFFFFF  }
0xa5: {  	s26 =	simm.s32 $execute0_lowered;
	[smem:$0x3FD2] =	sst s25  }
0xa6: {  	s5 =	sshll.u32 s26, $0x1;
	_ =	strace $0x8000004C;
	[dreg:$0x1] =	wrdreg $0xFFFFFFFF  }
0xa7: {  	s28 =	simm.s32 $_size_execute0_lowered;
	s3 =	sadd.s32 s3, s5;
	[dreg:$0x0] =	wrdreg $0x0  }
0xa8: {  	s5 =	sshll.u32 s28, $0x1;
	[dreg:$0x2] =	wrdreg s3  }
0xa9: {  	[dreg:$0x3] =	wrdreg s5  }
0xaa: {  	[dreg:$0x4] =	wrdreg $0xC0  }
0xab: {  	_ =	task [dreg:s7], $0x5FFFF  }
0xac: {  	[dreg:$0x1] =	wrdreg $0xFFFFFFFF  }
0xad: {  	[dreg:$0x0] =	wrdreg $0x60  }
0xae: {  	[dreg:$0x2] =	wrdreg s24  }
0xaf: {  	[dreg:$0x3] =	wrdreg s2  }
0xb0: {  	[dreg:$0x4] =	wrdreg $0x90000  }
0xb1: {  	[dreg:$0x5] =	wrdreg $0x9  }
0xb2: {  	_ =	task.clear_ibuf [dreg:s7], $0x6FFFF;
	_ =	strace $0x9000004C  }
0xb3: {  	s29 =	simm.s32 $0x9;
	_ =	strace $0x8000004E  }
0xb4: {  	_ =	swait.ge [sflag:s29], $0x1  }
0xb5: {  	[sflag:s29] =	ssyncadd.s32 $0xFFFFFFFF  }
0xb6: {  	_ =	strace $0x9000004E  }
0xb7: {  	_ =	sfence  }
0xb8: {  	s30 =	sld [smem:$0x0];
	_ =	sdelay $0x2  }
0xb9: {  	s31 =	sshll.u32 s1, $0xD;
	s1 =	sshrl.u32 s1, $0x2  }
0xba: {  	s3 =	sand.u32 $0x4000, s31;
	s1 =	sadd.s32 s1, s30  }
0xbb: {  	s0 =	sor.u32 s3, s0;
	s1 =	sshll.u32 s1, $0x11  }
0xbc: {  	s0 =	sor.u32 s1, s0  }
0xbd: {  	s0 =	sadd.s32 $0x8F2B, s0  }
0xbe: {  	[sflag:s0] =	ssyncadd.remote.s32 $0x1  }
0xbf: {  	_ =	sfence.sel $0xFFFF  }
0xc0: {  	[dreg:$0x0] =	wrdreg $0xFFFFFFFF;
	(pc) =	sbr.abs _section_cstart, $3  }
0xc1: {  	[dreg:$0x1] =	wrdreg $0xFFFFFFFF  }
0xc2: {  	_ =	task.clear_ibuf [dreg:s7], $0x2FFFF;
	_ =	strace $0x9FFFFFFF  }
0xc3: {  	(tm) =	ssettm $0x7FFFFFFF  }
tec
execute0_lowered:
.L_overlay_start_1:
0x0: {  	(tag) =	ssettag $0x1  }
0x1: {  	s6 =	rddreg [dreg:$0x0]  }
0x2: {  	s1 =	srdreg.scid;
	s7 =	rddreg [dreg:$0x1]  }
0x3: {  	s0 =	stileid.u32;
	s2 =	rddreg [dreg:$0x2];
	s3 =	simm.s32 $0x0  }
0x4: {  	s14 =	simm.s32 $0x80;
	s15 =	simm.s32 $0x5000;
	s16 =	simm.s32 $0x1  }
0x5: {  	s17 =	simm.s32 $0x0;
	s5 =	sand.u32 $0x1, s1;
	s1 =	rddreg [dreg:$0x3]  }
0x6: {  	s28 =	sshll.u32 s0, $0x1;
	[smem:$0x7FF] =	sst s3;
	s9 =	smul.u32 $0x2800, s0  }
0x7: {  	s13 =	smul.u32 $0x50000, s0;
	s31 =	sshll.u32 s0, $0x6;
	s4 =	sor.u32 s5, s28  }
0x8: {  	_ =	strace $0x8000004D;
	s10 =	smul.u32 $0x28000, s5;
	s12 =	ssub.s32 $0x2, s5  }
0x9: {  	s5 =	sadd.s32 $0xEC00, s6;
	s8 =	smul.u32 $0x500, s4;
	s4 =	sadd.s32 $0x11400, s6  }
0xa: {  	s29 =	sshrl.u32 s12, $0x1;
	s30 =	sshrl.u32 s13, $0x2;
	s9 =	sadd.s32 s9, s10  }
0xb: {  	s10 =	ssub.s32 s12, s29;
	s13 =	sadd.s32 s30, s2;
	s12 =	sor.u32 $0x1C02, s31  }
0xc: {  	s11 =	sadd.s32 s8, s6;
	s9 =	sadd.s32 s9, s6;
	s6 =	sadd.s32 s7, s8  }
0xd: {  	s13 =	sshrl.u32 s13, $0x3;
	s7 =	sadd.s32 $0x4400, s11;
	s8 =	sadd.s32 $0x61400, s9  }
0xe: {  	s9 =	smax.u32 s10, $0x1;
	s10 =	simm.s32 $0x2;
	s11 =	simm.s32 $0x2800  }
.LBB2_1:
0xf: {  	[tilespmem:s3], [sflag:$0x2] =	stream.linear.gather [hbm4b:s6+s3], $0x2780, $0x38;
	[tilespmem:$0x1D000] =	vst v63  }
0x10: {  	_ =	swait.ge [sflag:s10], $0x2780  }
0x11: {  	[sflag:s10] =	ssyncset.done $0x0  }
0x12: {  	[sflag:s10] =	ssyncadd.s32 $0xFFFFD880  }
0x13: {  	[tilespmem:s11], [sflag:$0x2] =	stream.linear.gather [hbm4b:s7+s3], $0x2780, $0x38;
	[tilespmem:$0x1D000] =	vst v63  }
0x14: {  	_ =	swait.ge [sflag:s10], $0x2780  }
0x15: {  	[sflag:s10] =	ssyncset.done $0x0  }
0x16: {  	[sflag:s10] =	ssyncadd.s32 $0xFFFFD880  }
0x17: {  	[spmem:s13], [sflag:s12] =	dma.local [hbm:s5], $0x2800  }
0x18: {  	_ =	swait.ge [sflag:s10], $0x2800  }
0x19: {  	[sflag:s10] =	ssyncset.done $0x0  }
0x1a: {  	[sflag:s10] =	ssyncadd.s32 $0xFFFFD800  }
0x1b: {  	s18 =	simm.s32 $0x0;
	[bflag:$0x0] =	sbarrier.arrive $0xFFFF  }
0x1c: {  	[tilespmem:s15], [sflag:$0x1] =	stream.indirect.gather [hbm4b:s4+s14], $0x80, s18, s14, $0xb8;
	[tilespmem:$0x1D000] =	vst v63  }
0x1d: {  	_ =	swait.ge [sflag:s16], $0x4000  }
0x1e: {  	[sflag:s16] =	ssyncset.done $0x0  }
0x1f: {  	s31 =	simm.s32 $0x2800;
	[sflag:s16] =	ssyncadd.s32 $0xFFFFC000  }
0x20: {  	[spmem:s2] =	stream.indirect.scatter.add.f32 [tilespmem:s15], [sflag:$0x2], $0x80, s31, s14, $0xb8;
	[tilespmem:$0x1D000] =	vst v63  }
0x21: {  	_ =	swait.ge [sflag:s10], $0x4000  }
0x22: {  	s19 =	simm.s32 $0x400;
	s18 =	simm.s32 $0x200;
	[sflag:s10] =	ssyncset.done $0x0  }
.LBB2_2:
0x23: {  	s20 =	sshra.s32 s18, $0x2  }
0x24: {  	[sflag:s10] =	ssyncadd.s32 $0xFFFFC000;
	s18 =	smov.u32 s19;
	s21 =	sadd.s32 $0x200, s19  }
0x25: {  	[tilespmem:s15], [sflag:$0x1] =	stream.indirect.gather [hbm4b:s4+s14], $0x80, s20, s14, $0xb8;
	[tilespmem:$0x1D000] =	vst v63  }
0x26: {  	p0 =	sne.s32 s19, $0x9C00;
	_ =	swait.ge [sflag:s16], $0x4000  }
.Ltmp0:
0x27: {  	[sflag:s16] =	ssyncset.done $0x0;
	(pc) =	sbr.rel @p0 .LBB2_2-.Ltmp0, $4  }
0x28: {  	s19 =	sadd.s32 $0x2800, s20;
	[sflag:s16] =	ssyncadd.s32 $0xFFFFC000  }
0x29: {  	[spmem:s2] =	stream.indirect.scatter.add.f32 [tilespmem:s15], [sflag:$0x2], $0x80, s19, s14, $0xb8;
	[tilespmem:$0x1D000] =	vst v63  }
0x2a: {  	_ =	swait.ge [sflag:s10], $0x4000  }
0x2b: {  	s19 =	smov.u32 s21;
	[sflag:s10] =	ssyncset.done $0x0  }
0x2c: {  	s18 =	sshra.s32 s18, $0x2;
	[sflag:s10] =	ssyncadd.s32 $0xFFFFC000  }
0x2d: {  	[tilespmem:s15], [sflag:$0x1] =	stream.indirect.gather [hbm4b:s4+s14], $0x80, s18, s14, $0xb8;
	[tilespmem:$0x1D000] =	vst v63  }
0x2e: {  	_ =	swait.ge [sflag:s16], $0x4000  }
0x2f: {  	[sflag:s16] =	ssyncset.done $0x0  }
0x30: {  	s18 =	sadd.s32 $0x2800, s18;
	[sflag:s16] =	ssyncadd.s32 $0xFFFFC000  }
0x31: {  	[spmem:s2] =	stream.indirect.scatter.add.f32 [tilespmem:s15], [sflag:$0x2], $0x80, s18, s14, $0xb8;
	[tilespmem:$0x1D000] =	vst v63  }
0x32: {  	_ =	swait.ge [sflag:s10], $0x4000  }
0x33: {  	s17 =	sadd.s32 $0x1, s17;
	[sflag:s10] =	ssyncset.done $0x0  }
0x34: {  	p0 =	sne.s32 s17, s9;
	[sflag:s10] =	ssyncadd.s32 $0xFFFFC000  }
.Ltmp1:
0x35: {  	[bflag:$0x0] =	sbarrier.arrive $0xFFFF;
	(pc) =	sbr.rel @p0 .LBB2_1-.Ltmp1, $4  }
0x36: {  	[hbm:s8], [sflag:s12] =	dma.local [spmem:s13], $0x2800  }
0x37: {  	_ =	swait.ge [sflag:s10], $0x2800  }
0x38: {  	[sflag:s10] =	ssyncset.done $0x0  }
0x39: {  	[sflag:s10] =	ssyncadd.s32 $0xFFFFD800  }
0x3a: {  	_ =	sfence.sel $0x180000  }
0x3b: {  	[bflag:$0x0] =	sbarrier.arrive $0xFFFF  }
0x3c: {  	p0 =	sne.s32 s0, $0x0;
	_ =	strace $0x9000004D  }
0x3d: {  	s0 =	sadd.s32 @!p0 $0x100000, s1;
	[bflag:$0x2] =	sbarrier.arrive $0xFFFF  }
0x3e: {  	[sflag:s0] =	ssyncadd.tile.s32 @!p0 $0x1;
	_ =	shalt  }
.Lfunc_end2:
_tile_overlayer_lowered:
.L_overlay_start_2:
0x3f: {  	(tag) =	ssettag $0x2  }
0x40: {  	s0 =	rddreg [dreg:$0x0];
	s2 =	stileid.u32  }
0x41: {  	s1 =	rddreg [dreg:$0x1];
	p0 =	sne.s32 s2, $0x0  }
0x42: {  	s3 =	rddreg [dreg:$0x2];
	[bflag:$0x3] =	sbarrier.arrive $0xFFFF;
	s2 =	simm.s32 @!p0 $0x1C02  }
0x43: {  	[timem:s3], [sflag:s2] =	dma.local @!p0 [hbm:s0], s1  }
0x44: {  	s0 =	simm.s32 @!p0 $0x2  }
0x45: {  	_ =	swait.ge @!p0 [sflag:s0], s1  }
0x46: {  	s1 =	ssub.s32 @!p0 $0x0, s1;
	[sflag:s0] =	ssyncset.done @!p0 $0x0  }
0x47: {  	[sflag:s0] =	ssyncadd.s32 @!p0 s1  }
0x48: {  	[bflag:$0x3] =	sbarrier.arrive $0xFFFF  }
0x49: {  	_ =	shalt  }

// kernel: kernel.19.cloned.1.call-start
scs
__scs_entry_jumppad:
0x0: {  	(pc) =	sbr.rel $0x88, $3  }
0x1: {  	(tag) =	ssettag $0x0;
	lr =	simm.s32 $0x1  }
0x2: {  	[smem:$0x3F97] =	sst lr;
	_ =	strace $0xD0000000  }
0x3: {  	_ = 	snop  }
0x4: {  	_ = 	snop  }
0x5: {  	_ = 	snop  }
0x6: {  	_ = 	snop  }
0x7: {  	_ = 	snop  }
__scs_overlays_trampoline_lowered:
0x8: {  	[smem:$0x3FA6] =	sst s0  }
0x9: {  	[smem:$0x3FA7] =	sst s1  }
0xa: {  	[smem:$0x3FA8] =	sst s2  }
0xb: {  	[smem:$0x3FA9] =	sst s3  }
0xc: {  	[smem:$0x3FAA] =	sst s4  }
0xd: {  	[smem:$0x3FAB] =	sst s5  }
0xe: {  	[smem:$0x3FAC] =	sst s6  }
0xf: {  	[smem:$0x3FAD] =	sst s7  }
0x10: {  	[smem:$0x3FAE] =	sst s8  }
0x11: {  	[smem:$0x3FAF] =	sst s9;
	s0 =	simm.s32 @!p0 $0x0  }
0x12: {  	s1 =	sld [smem:$0x3F95];
	s0 =	simm.s32 @p0 $0x1  }
0x13: {  	[smem:$0x3FB0] =	sst s0;
	s0 =	simm.s32 @!p1 $0x0  }
0x14: {  	s2 =	sld [smem:$0x3F94];
	s0 =	simm.s32 @p1 $0x1  }
0x15: {  	[smem:$0x3FB1] =	sst s0;
	s0 =	simm.s32 @!p2 $0x0  }
0x16: {  	s3 =	sld [smem:$0x3FDB];
	s0 =	simm.s32 @p2 $0x1  }
0x17: {  	s4 =	simm.s32 $0x1BF5;
	[smem:$0x3FB3] =	sst s0  }
0x18: {  	s0 =	sld [smem:$0x3F96];
	_ =	swait.ge [sflag:s4], $0x0  }
0x19: {  	s7 =	sld [smem:$0x3F97]  }
0x1a: {  	s8 =	sadd.s32 $0xFFFFE003, lr  }
0x1b: {  	s9 =	sadd.s32 $0xFFFFFEF7, lr;
	s5 =	simm.s32 $0xFFFFFFFF;
	p2 =	slt.u32 s8, $0xFFFFF086  }
0x1c: {  	p1 =	slt.u32 s9, $0xF7A;
	s5 =	simm.s32 @!p2 $0x0  }
0x1d: {  	s5 =	simm.s32 @p1 $0x1;
	p0 =	seq.s32 s7, s2  }
0x1e: {  	s7 =	smul.u32 @!p0 $0xF7A, s2;
	p2 =	seq.s32 @!p0 s5, $0x0  }
0x1f: {  	s9 =	smul.u32 $0xF7A, s1;
	s8 =	simm.s32 @!p0 $0x1BF5;
	p2 =	por !p2, p0  }
0x20: {  	[sflag:s8] =	ssyncset.s32 @!p0 $0xFFFFF086;
	s6 =	sadd.s32 @!p0 s3, s7;
	s7 =	simm.s32 @!p0 $0x108  }
0x21: {  	s3 =	sadd.s32 s3, s9;
	s6 =	sadd.s32 @!p0 $0x88, s6;
	s7 =	simm.s32 @p2 $0x1082  }
0x22: {  	[simem:s7], [sflag:s8] =	dma.local @!p0 [hbm:s6], $0xF7A  }
0x23: {  	s9 =	sor.u32 $0xD0000000, s2;
	s6 =	simm.s32 $0x108;
	_ =	swait.ge @!p0 [sflag:s8], $0x0  }
0x24: {  	s3 =	sadd.s32 $0x88, s3;
	s6 =	simm.s32 @!p1 $0x1082;
	[sflag:s4] =	ssyncset.s32 $0xFFFFF086  }
0x25: {  	[simem:s6], [sflag:s4] =	dma.local [hbm:s3], $0xF7A  }
0x26: {  	[smem:$0x3F97] =	sst s1;
	(tag) =	ssettag s2;
	_ =	strace s9  }
0x27: {  	s1 =	sld [smem:$0x3FA7]  }
0x28: {  	s2 =	sld [smem:$0x3FA8]  }
0x29: {  	s4 =	sld [smem:$0x3FAA]  }
0x2a: {  	p0 =	seq.s32 s5, $0x0;
	s5 =	sld [smem:$0x3FAB]  }
0x2b: {  	s6 =	sld [smem:$0x3FAC]  }
0x2c: {  	s7 =	sld [smem:$0x3FAD]  }
0x2d: {  	s3 =	simm.s32 $0x108;
	s8 =	sld [smem:$0x3FAE]  }
0x2e: {  	s3 =	simm.s32 @!p0 $0x1082;
	s9 =	sld [smem:$0x3FAF]  }
0x2f: {  	lr =	sadd.s32 s0, s3;
	s0 =	sld [smem:$0x3FA6]  }
0x30: {  	s3 =	sld [smem:$0x3FA9]  }
0x31: {  	[smem:$0x3FB2] =	sst s10  }
0x32: {  	s10 =	sld [smem:$0x3FB0];
	_ =	sdelay $0x3  }
0x33: {  	p0 =	seq.s32 s10, $0x1;
	s10 =	sld [smem:$0x3FB2];
	_ =	sdelay $0x3  }
0x34: {  	[smem:$0x3FB2] =	sst s10  }
0x35: {  	s10 =	sld [smem:$0x3FB1];
	_ =	sdelay $0x3  }
0x36: {  	p1 =	seq.s32 s10, $0x1;
	s10 =	sld [smem:$0x3FB2];
	_ =	sdelay $0x3  }
0x37: {  	[smem:$0x3FB2] =	sst s10  }
0x38: {  	s10 =	sld [smem:$0x3FB3]  }
0x39: {  	_ = 	snop;
	(pc) =	sbr.ind lr, $3  }
0x3a: {  	_ = 	snop  }
0x3b: {  	_ = 	snop  }
0x3c: {  	p2 =	seq.s32 s10, $0x1;
	s10 =	sld [smem:$0x3FB2]  }
0x3d: {  	_ =	shalt  }
0x3e: {  	_ =	shalt  }
0x3f: {  	_ =	shalt  }
0x40: {  	_ =	shalt  }
0x41: {  	_ =	shalt  }
0x42: {  	_ =	shalt  }
0x43: {  	_ =	shalt  }
0x44: {  	_ =	shalt  }
0x45: {  	_ =	shalt  }
0x46: {  	_ =	shalt  }
0x47: {  	_ =	shalt  }
0x48: {  	_ =	shalt  }
0x49: {  	_ =	shalt  }
0x4a: {  	_ =	shalt  }
0x4b: {  	_ =	shalt  }
0x4c: {  	_ =	shalt  }
0x4d: {  	_ =	shalt  }
0x4e: {  	_ =	shalt  }
0x4f: {  	_ =	shalt  }
0x50: {  	_ =	shalt  }
0x51: {  	_ =	shalt  }
0x52: {  	_ =	shalt  }
0x53: {  	_ =	shalt  }
0x54: {  	_ =	shalt  }
0x55: {  	_ =	shalt  }
0x56: {  	_ =	shalt  }
0x57: {  	_ =	shalt  }
0x58: {  	_ =	shalt  }
0x59: {  	_ =	shalt  }
0x5a: {  	_ =	shalt  }
0x5b: {  	_ =	shalt  }
0x5c: {  	_ =	shalt  }
0x5d: {  	_ =	shalt  }
0x5e: {  	_ =	shalt  }
0x5f: {  	_ =	shalt  }
0x60: {  	_ =	shalt  }
0x61: {  	_ =	shalt  }
0x62: {  	_ =	shalt  }
0x63: {  	_ =	shalt  }
0x64: {  	_ =	shalt  }
0x65: {  	_ =	shalt  }
0x66: {  	_ =	shalt  }
0x67: {  	_ =	shalt  }
0x68: {  	_ =	shalt  }
0x69: {  	_ =	shalt  }
0x6a: {  	_ =	shalt  }
0x6b: {  	_ =	shalt  }
0x6c: {  	_ =	shalt  }
0x6d: {  	_ =	shalt  }
0x6e: {  	_ =	shalt  }
0x6f: {  	_ =	shalt  }
0x70: {  	_ =	shalt  }
0x71: {  	_ =	shalt  }
0x72: {  	_ =	shalt  }
0x73: {  	_ =	shalt  }
0x74: {  	_ =	shalt  }
0x75: {  	_ =	shalt  }
0x76: {  	_ =	shalt  }
0x77: {  	_ =	shalt  }
0x78: {  	_ =	shalt  }
0x79: {  	_ =	shalt  }
0x7a: {  	_ =	shalt  }
0x7b: {  	_ =	shalt  }
0x7c: {  	_ =	shalt  }
0x7d: {  	_ =	shalt  }
0x7e: {  	_ =	shalt  }
0x7f: {  	_ =	shalt  }
0x80: {  	_ =	shalt  }
0x81: {  	_ =	shalt  }
0x82: {  	_ =	shalt  }
0x83: {  	_ =	shalt  }
0x84: {  	_ =	shalt  }
0x85: {  	_ =	shalt  }
0x86: {  	_ =	shalt  }
0x87: {  	_ =	shalt  }
.Lfunc_end0:
.L_simem_size_0:
called_computation.3_lowered:
.L_overlay_start_0:
0x88: {  	s2 =	sld [smem:$0x3FD9]  }
0x89: {  	s3 =	sld [smem:$0x3FFE];
	_ =	sdelay $0x1  }
0x8a: {  	s1 =	srdreg.scid  }
0x8b: {  	s0 =	sand.u32 $0x1, s1  }
0x8c: {  	s17 =	sshll.u32 s0, $0xA;
	s2 =	sadd.s32 s3, s2  }
0x8d: {  	s2 =	sadd.s32 s2, s17  }
0x8e: {  	[smem:$0x3FBE] =	sst s2  }
0x8f: {  	_ = 	snop  }
0x90: {  	s2 =	sld [smem:$0x3FD0];
	(tm) =	ssettm $0x1  }
0x91: {  	s18 =	sld [smem:$0x3FFB];
	_ =	sdelay $0x3  }
0x92: {  	_ =	strace s18  }
0x93: {  	s3 =	sld [smem:$0x3FFC];
	_ =	sdelay $0x3  }
0x94: {  	_ =	strace s3  }
0x95: {  	s3 =	sld [smem:$0x3FFD];
	_ =	sdelay $0x3  }
0x96: {  	_ =	strace s3  }
0x97: {  	_ =	strace $0x8FFFFFFF  }
0x98: {  	s19 =	sld [smem:$0x3FDB];
	_ =	sdelay $0x1  }
0x99: {  	s4 =	simm.s32 $_scs_section_size  }
0x9a: {  	s5 =	simm.s32 $_size__tile_overlayer_lowered;
	s6 =	simm.s32 $_tile_overlayer_lowered  }
0x9b: {  	s22 =	simm.s32 $0x1BFF;
	s21 =	sshll.u32 s6, $0x1;
	s3 =	sadd.s32 s4, s19  }
0x9c: {  	s7 =	simm.s32 $0x0;
	s20 =	sshll.u32 s5, $0x1;
	s5 =	sadd.s32 s21, s3  }
0x9d: {  	[timem:s7], [sflag:s22] =	dma.local [hbm:s5], s20  }
0x9e: {  	_ =	swait.ge [sflag:s22], s20  }
0x9f: {  	s4 =	ssub.s32 $0x0, s20;
	[sflag:s22] =	ssyncset.done $0x0  }
0xa0: {  	[sflag:s22] =	ssyncadd.s32 s4;
	_ =	sdelay $0x1  }
0xa1: {  	s23 =	simm.s32 $0x1B8B  }
0xa2: {  	_ =	swait.ge [sflag:s23], $0x1  }
0xa3: {  	[sflag:s23] =	ssyncset.done $0x0  }
0xa4: {  	s25 =	simm.s32 $0x1B8E;
	s24 =	sld [smem:$0x3FFE];
	[sflag:s23] =	ssyncadd.s32 $0xFFFFFFFF  }
0xa5: {  	s26 =	simm.s32 $execute0_lowered;
	[smem:$0x3FD2] =	sst s25  }
0xa6: {  	s5 =	sshll.u32 s26, $0x1;
	_ =	strace $0x8000004F;
	[dreg:$0x1] =	wrdreg $0xFFFFFFFF  }
0xa7: {  	s28 =	simm.s32 $_size_execute0_lowered;
	s3 =	sadd.s32 s3, s5;
	[dreg:$0x0] =	wrdreg $0x0  }
0xa8: {  	s5 =	sshll.u32 s28, $0x1;
	[dreg:$0x2] =	wrdreg s3  }
0xa9: {  	[dreg:$0x3] =	wrdreg s5  }
0xaa: {  	[dreg:$0x4] =	wrdreg $0xC0  }
0xab: {  	_ =	task [dreg:s7], $0x5FFFF  }
0xac: {  	[dreg:$0x1] =	wrdreg $0xFFFFFFFF  }
0xad: {  	[dreg:$0x0] =	wrdreg $0x60  }
0xae: {  	[dreg:$0x2] =	wrdreg s24  }
0xaf: {  	[dreg:$0x3] =	wrdreg s2  }
0xb0: {  	[dreg:$0x4] =	wrdreg $0x90000  }
0xb1: {  	[dreg:$0x5] =	wrdreg $0x9  }
0xb2: {  	_ =	task.clear_ibuf [dreg:s7], $0x6FFFF;
	_ =	strace $0x9000004F  }
0xb3: {  	s29 =	simm.s32 $0x9;
	_ =	strace $0x80000051  }
0xb4: {  	_ =	swait.ge [sflag:s29], $0x1  }
0xb5: {  	[sflag:s29] =	ssyncadd.s32 $0xFFFFFFFF  }
0xb6: {  	_ =	strace $0x90000051  }
0xb7: {  	_ =	sfence  }
0xb8: {  	s30 =	sld [smem:$0x0];
	_ =	sdelay $0x2  }
0xb9: {  	s31 =	sshll.u32 s1, $0xD;
	s1 =	sshrl.u32 s1, $0x2  }
0xba: {  	s3 =	sand.u32 $0x4000, s31;
	s1 =	sadd.s32 s1, s30  }
0xbb: {  	s0 =	sor.u32 s3, s0;
	s1 =	sshll.u32 s1, $0x11  }
0xbc: {  	s0 =	sor.u32 s1, s0  }
0xbd: {  	s0 =	sadd.s32 $0x8F2B, s0  }
0xbe: {  	[sflag:s0] =	ssyncadd.remote.s32 $0x1  }
0xbf: {  	_ =	sfence.sel $0xFFFF  }
0xc0: {  	[dreg:$0x0] =	wrdreg $0xFFFFFFFF;
	(pc) =	sbr.abs _section_cstart, $3  }
0xc1: {  	[dreg:$0x1] =	wrdreg $0xFFFFFFFF  }
0xc2: {  	_ =	task.clear_ibuf [dreg:s7], $0x2FFFF;
	_ =	strace $0x9FFFFFFF  }
0xc3: {  	(tm) =	ssettm $0x7FFFFFFF  }
tec
execute0_lowered:
.L_overlay_start_1:
0x0: {  	(tag) =	ssettag $0x1  }
0x1: {  	s6 =	rddreg [dreg:$0x0]  }
0x2: {  	s1 =	srdreg.scid;
	s7 =	rddreg [dreg:$0x1]  }
0x3: {  	s0 =	stileid.u32;
	s2 =	rddreg [dreg:$0x2];
	s3 =	simm.s32 $0x0  }
0x4: {  	s14 =	simm.s32 $0x80;
	s15 =	simm.s32 $0x5000;
	s16 =	simm.s32 $0x1  }
0x5: {  	s17 =	simm.s32 $0x0;
	s5 =	sand.u32 $0x1, s1;
	s1 =	rddreg [dreg:$0x3]  }
0x6: {  	s28 =	sshll.u32 s0, $0x1;
	[smem:$0x7FF] =	sst s3;
	s9 =	smul.u32 $0x2800, s0  }
0x7: {  	s13 =	smul.u32 $0x50000, s0;
	s31 =	sshll.u32 s0, $0x6;
	s4 =	sor.u32 s5, s28  }
0x8: {  	_ =	strace $0x80000050;
	s10 =	smul.u32 $0x28000, s5;
	s12 =	ssub.s32 $0x2, s5  }
0x9: {  	s5 =	sadd.s32 $0xEC00, s6;
	s8 =	smul.u32 $0x500, s4;
	s4 =	sadd.s32 $0x11400, s6  }
0xa: {  	s29 =	sshrl.u32 s12, $0x1;
	s30 =	sshrl.u32 s13, $0x2;
	s9 =	sadd.s32 s9, s10  }
0xb: {  	s10 =	ssub.s32 s12, s29;
	s13 =	sadd.s32 s30, s2;
	s12 =	sor.u32 $0x1C02, s31  }
0xc: {  	s11 =	sadd.s32 s8, s6;
	s9 =	sadd.s32 s9, s6;
	s6 =	sadd.s32 s7, s8  }
0xd: {  	s13 =	sshrl.u32 s13, $0x3;
	s7 =	sadd.s32 $0x4400, s11;
	s8 =	sadd.s32 $0x61400, s9  }
0xe: {  	s9 =	smax.u32 s10, $0x1;
	s10 =	simm.s32 $0x2;
	s11 =	simm.s32 $0x2800  }
.LBB2_1:
0xf: {  	[tilespmem:s3], [sflag:$0x2] =	stream.linear.gather [hbm4b:s6+s3], $0x2780, $0x38;
	[tilespmem:$0x1D000] =	vst v63  }
0x10: {  	_ =	swait.ge [sflag:s10], $0x2780  }
0x11: {  	[sflag:s10] =	ssyncset.done $0x0  }
0x12: {  	[sflag:s10] =	ssyncadd.s32 $0xFFFFD880  }
0x13: {  	[tilespmem:s11], [sflag:$0x2] =	stream.linear.gather [hbm4b:s7+s3], $0x2780, $0x38;
	[tilespmem:$0x1D000] =	vst v63  }
0x14: {  	_ =	swait.ge [sflag:s10], $0x2780  }
0x15: {  	[sflag:s10] =	ssyncset.done $0x0  }
0x16: {  	[sflag:s10] =	ssyncadd.s32 $0xFFFFD880  }
0x17: {  	[spmem:s13], [sflag:s12] =	dma.local [hbm:s5], $0x2800  }
0x18: {  	_ =	swait.ge [sflag:s10], $0x2800  }
0x19: {  	[sflag:s10] =	ssyncset.done $0x0  }
0x1a: {  	[sflag:s10] =	ssyncadd.s32 $0xFFFFD800  }
0x1b: {  	s18 =	simm.s32 $0x0;
	[bflag:$0x0] =	sbarrier.arrive $0xFFFF  }
0x1c: {  	[tilespmem:s15], [sflag:$0x1] =	stream.indirect.gather [hbm4b:s4+s14], $0x80, s18, s14, $0xb8;
	[tilespmem:$0x1D000] =	vst v63  }
0x1d: {  	_ =	swait.ge [sflag:s16], $0x4000  }
0x1e: {  	[sflag:s16] =	ssyncset.done $0x0  }
0x1f: {  	s31 =	simm.s32 $0x2800;
	[sflag:s16] =	ssyncadd.s32 $0xFFFFC000  }
0x20: {  	[spmem:s2] =	stream.indirect.scatter.add.f32 [tilespmem:s15], [sflag:$0x2], $0x80, s31, s14, $0xb8;
	[tilespmem:$0x1D000] =	vst v63  }
0x21: {  	_ =	swait.ge [sflag:s10], $0x4000  }
0x22: {  	s19 =	simm.s32 $0x400;
	s18 =	simm.s32 $0x200;
	[sflag:s10] =	ssyncset.done $0x0  }
.LBB2_2:
0x23: {  	s20 =	sshra.s32 s18, $0x2  }
0x24: {  	[sflag:s10] =	ssyncadd.s32 $0xFFFFC000;
	s18 =	smov.u32 s19;
	s21 =	sadd.s32 $0x200, s19  }
0x25: {  	[tilespmem:s15], [sflag:$0x1] =	stream.indirect.gather [hbm4b:s4+s14], $0x80, s20, s14, $0xb8;
	[tilespmem:$0x1D000] =	vst v63  }
0x26: {  	p0 =	sne.s32 s19, $0x9C00;
	_ =	swait.ge [sflag:s16], $0x4000  }
.Ltmp0:
0x27: {  	[sflag:s16] =	ssyncset.done $0x0;
	(pc) =	sbr.rel @p0 .LBB2_2-.Ltmp0, $4  }
0x28: {  	s19 =	sadd.s32 $0x2800, s20;
	[sflag:s16] =	ssyncadd.s32 $0xFFFFC000  }
0x29: {  	[spmem:s2] =	stream.indirect.scatter.add.f32 [tilespmem:s15], [sflag:$0x2], $0x80, s19, s14, $0xb8;
	[tilespmem:$0x1D000] =	vst v63  }
0x2a: {  	_ =	swait.ge [sflag:s10], $0x4000  }
0x2b: {  	s19 =	smov.u32 s21;
	[sflag:s10] =	ssyncset.done $0x0  }
0x2c: {  	s18 =	sshra.s32 s18, $0x2;
	[sflag:s10] =	ssyncadd.s32 $0xFFFFC000  }
0x2d: {  	[tilespmem:s15], [sflag:$0x1] =	stream.indirect.gather [hbm4b:s4+s14], $0x80, s18, s14, $0xb8;
	[tilespmem:$0x1D000] =	vst v63  }
0x2e: {  	_ =	swait.ge [sflag:s16], $0x4000  }
0x2f: {  	[sflag:s16] =	ssyncset.done $0x0  }
0x30: {  	s18 =	sadd.s32 $0x2800, s18;
	[sflag:s16] =	ssyncadd.s32 $0xFFFFC000  }
0x31: {  	[spmem:s2] =	stream.indirect.scatter.add.f32 [tilespmem:s15], [sflag:$0x2], $0x80, s18, s14, $0xb8;
	[tilespmem:$0x1D000] =	vst v63  }
0x32: {  	_ =	swait.ge [sflag:s10], $0x4000  }
0x33: {  	s17 =	sadd.s32 $0x1, s17;
	[sflag:s10] =	ssyncset.done $0x0  }
0x34: {  	p0 =	sne.s32 s17, s9;
	[sflag:s10] =	ssyncadd.s32 $0xFFFFC000  }
.Ltmp1:
0x35: {  	[bflag:$0x0] =	sbarrier.arrive $0xFFFF;
	(pc) =	sbr.rel @p0 .LBB2_1-.Ltmp1, $4  }
0x36: {  	[hbm:s8], [sflag:s12] =	dma.local [spmem:s13], $0x2800  }
0x37: {  	_ =	swait.ge [sflag:s10], $0x2800  }
0x38: {  	[sflag:s10] =	ssyncset.done $0x0  }
0x39: {  	[sflag:s10] =	ssyncadd.s32 $0xFFFFD800  }
0x3a: {  	_ =	sfence.sel $0x180000  }
0x3b: {  	[bflag:$0x0] =	sbarrier.arrive $0xFFFF  }
0x3c: {  	p0 =	sne.s32 s0, $0x0;
	_ =	strace $0x90000050  }
0x3d: {  	s0 =	sadd.s32 @!p0 $0x100000, s1;
	[bflag:$0x2] =	sbarrier.arrive $0xFFFF  }
0x3e: {  	[sflag:s0] =	ssyncadd.tile.s32 @!p0 $0x1;
	_ =	shalt  }
.Lfunc_end2:
_tile_overlayer_lowered:
.L_overlay_start_2:
0x3f: {  	(tag) =	ssettag $0x2  }
0x40: {  	s0 =	rddreg [dreg:$0x0];
	s2 =	stileid.u32  }
0x41: {  	s1 =	rddreg [dreg:$0x1];
	p0 =	sne.s32 s2, $0x0  }
0x42: {  	s3 =	rddreg [dreg:$0x2];
	[bflag:$0x3] =	sbarrier.arrive $0xFFFF;
	s2 =	simm.s32 @!p0 $0x1C02  }
0x43: {  	[timem:s3], [sflag:s2] =	dma.local @!p0 [hbm:s0], s1  }
0x44: {  	s0 =	simm.s32 @!p0 $0x2  }
0x45: {  	_ =	swait.ge @!p0 [sflag:s0], s1  }
0x46: {  	s1 =	ssub.s32 @!p0 $0x0, s1;
	[sflag:s0] =	ssyncset.done @!p0 $0x0  }
0x47: {  	[sflag:s0] =	ssyncadd.s32 @!p0 s1  }
0x48: {  	[bflag:$0x3] =	sbarrier.arrive $0xFFFF  }
0x49: {  	_ =	shalt  }

</sc_bundles>
